<compile_context>
chip_gen: v7x
topology: tpu7x:2x2x1
jax: 0.10.2.dev20260603
libtpu: 0.0.44.dev20260713+nightly
codegen_flags: <defaults>
</compile_context>

<pallas_src>
import functools

import jax
import jax.numpy as jnp
from jax import lax
from jax.experimental import pallas as pl
from jax.experimental.pallas import tpu as pltpu
from jax.experimental.pallas import tpu_sc as plsc

VOCAB = 1000000
EMB = 64
BATCH = 4096
SEQ = 200
NTOK = BATCH * SEQ
NC, NS, L = 2, 16, 16
NW = NC * NS
CHUNK = 128
CPW = NTOK // (NW * CHUNK)
NBUF = 8

_mesh = plsc.VectorSubcoreMesh(
    core_axis_name="c", subcore_axis_name="s", num_cores=NC, num_subcores=NS
)


@functools.partial(
    pl.kernel,
    out_type=(
        jax.ShapeDtypeStruct((NTOK, EMB), jnp.float32),
        jax.ShapeDtypeStruct((NTOK // CHUNK, CHUNK), jnp.float32),
    ),
    mesh=_mesh,
    scratch_types=(
        pltpu.VMEM((CPW, CHUNK), jnp.int32),
        pltpu.VMEM((CPW, CHUNK), jnp.float32),
        tuple(pltpu.VMEM((CHUNK, EMB), jnp.float32) for _ in range(NBUF)),
        tuple(pltpu.SemaphoreType.DMA for _ in range(NBUF)),
        pltpu.SemaphoreType.DMA,
    ),
    compiler_params=pltpu.CompilerParams(use_tc_tiling_on_sc=False),
)
def _emb_lookup(
    x_hbm, w_hbm, emb_hbm, mask_hbm, idx_v, mask_v, rows, gsems, msem
):
    wid = lax.axis_index("s") * NC + lax.axis_index("c")
    row0 = wid * CPW
    pltpu.sync_copy(x_hbm.at[pl.ds(row0, CPW)], idx_v)

    def start_gather(j, b):
        pltpu.async_copy(w_hbm.at[idx_v.at[j]], rows[b], gsems[b])

    def drain(j, b):
        pltpu.make_async_copy(w_hbm.at[idx_v.at[j]], rows[b], gsems[b]).wait()
        pltpu.sync_copy(rows[b], emb_hbm.at[pl.ds((row0 + j) * CHUNK, CHUNK)])

    for b in range(NBUF):
        start_gather(b, b)

    @pl.loop(0, CPW)
    def _mask(j):
        for k in range(CHUNK // L):
            v = idx_v[j, pl.ds(k * L, L)]
            mask_v[j, pl.ds(k * L, L)] = jnp.where(v != 0, 1.0, 0.0).astype(
                jnp.float32
            )

    pltpu.async_copy(mask_v, mask_hbm.at[pl.ds(row0, CPW)], msem)

    @pl.loop(0, CPW // NBUF - 1)
    def _ring(r):
        for b in range(NBUF):
            j = r * NBUF + b
            drain(j, b)
            start_gather(j + NBUF, b)

    for b in range(NBUF):
        drain(CPW - NBUF + b, b)

    pltpu.make_async_copy(mask_v, mask_hbm.at[pl.ds(row0, CPW)], msem).wait()


def kernel(x, weight):
    xf = x.reshape(NTOK // CHUNK, CHUNK)
    emb, mask = _emb_lookup(xf, weight)
    return emb.reshape(BATCH, SEQ, EMB), mask.reshape(BATCH, SEQ)

# --- scband reference (transcript-rebuilt; emitter-appended) ---
"""Pipeline reference for scband-embedding-14422500180676 (READ-ONLY COPY).

The authoritative reference and input builder live on the scoring server;
editing this copy changes nothing except your own understanding.
"""

import jax, jax.numpy as jnp
import numpy as np

VOCAB = 1000000
EMB = 64
BATCH = 4096
SEQ = 200

def setup_inputs(seed: int = 0) -> dict:
    key = jax.random.key(seed)
    k1, k2 = jax.random.split(key)
    x = jax.random.randint(k1, (BATCH, SEQ), 0, VOCAB, dtype=jnp.int64 if jax.config.jax_enable_x64 else jnp.int32).astype(jnp.int32)
    # embedding table init: uniform(-0.05, 0.05), row 0 (padding_idx) zeroed
    weight = jax.random.uniform(k2, (VOCAB, EMB), dtype=jnp.float32, minval=-0.05, maxval=0.05)
    weight = weight.at[0].set(0.0)
    return {"x": x, "weight": weight}

def reference(x, weight):
    # padding_idx=0: row 0 of the effective table is zero
    w = weight.at[0].set(0.0)
    embeddings = jnp.take(w, x, axis=0)  # [B, S, E] gather
    mask = jnp.not_equal(x, 0).astype(jnp.float32)  # [B, S]
    return (embeddings, mask)

if __name__ == "__main__":
    import jax
    _d = setup_inputs()
    print(jax.jit(kernel)(*tuple(_d.values())))

</pallas_src>

<mosaic_0001>
#map = affine_map<(d0, d1) -> (0, 0)>
module attributes {stable_mosaic.version = 14 : i64} {
  func.func @_emb_lookup(%arg0: i32, %arg1: i32, %arg2: memref<6400x128xi32, #tpu.memory_space<hbm>>, %arg3: memref<1000000x64xf32, #tpu.memory_space<hbm>>, %arg4: memref<819200x64xf32, #tpu.memory_space<hbm>>, %arg5: memref<6400x128xf32, #tpu.memory_space<hbm>>, %arg6: memref<200x128xi32, #tpu.memory_space<vmem>>, %arg7: memref<200x128xf32, #tpu.memory_space<vmem>>, %arg8: memref<128x64xf32, #tpu.memory_space<vmem>>, %arg9: memref<128x64xf32, #tpu.memory_space<vmem>>, %arg10: memref<128x64xf32, #tpu.memory_space<vmem>>, %arg11: memref<128x64xf32, #tpu.memory_space<vmem>>, %arg12: memref<128x64xf32, #tpu.memory_space<vmem>>, %arg13: memref<128x64xf32, #tpu.memory_space<vmem>>, %arg14: memref<128x64xf32, #tpu.memory_space<vmem>>, %arg15: memref<128x64xf32, #tpu.memory_space<vmem>>, %arg16: memref<!tpu.dma_semaphore, #tpu.memory_space<semaphore_mem>>, %arg17: memref<!tpu.dma_semaphore, #tpu.memory_space<semaphore_mem>>, %arg18: memref<!tpu.dma_semaphore, #tpu.memory_space<semaphore_mem>>, %arg19: memref<!tpu.dma_semaphore, #tpu.memory_space<semaphore_mem>>, %arg20: memref<!tpu.dma_semaphore, #tpu.memory_space<semaphore_mem>>, %arg21: memref<!tpu.dma_semaphore, #tpu.memory_space<semaphore_mem>>, %arg22: memref<!tpu.dma_semaphore, #tpu.memory_space<semaphore_mem>>, %arg23: memref<!tpu.dma_semaphore, #tpu.memory_space<semaphore_mem>>, %arg24: memref<!tpu.dma_semaphore, #tpu.memory_space<semaphore_mem>>) attributes {dimension_semantics = [#tpu.dimension_semantics<core_parallel>, #tpu.dimension_semantics<subcore_parallel>], iteration_bounds = array<i64: 2, 16>, scalar_prefetch = 0 : i64, scratch_operands = 19 : i64, tpu.core_type = #tpu.core_type<sc_vector_subcore>, window_params = [{transform_indices = #map}, {transform_indices = #map}, {transform_indices = #map}, {transform_indices = #map}]} {
    %mul3A = arith.constant 2 : i32
    %mul3A_0 = arith.muli %arg1, %mul3A : i32
    %add3A = arith.addi %mul3A_0, %arg0 : i32
    %mul3A_1 = arith.constant 200 : i32
    %mul3A_2 = arith.muli %add3A, %mul3A_1 : i32
    "tpu.region"() ({
      %run_scoped3A = tpu.sem_alloc : memref<!tpu.dma_semaphore, #tpu.memory_space<semaphore_mem>>
      %dma_start3A_162 = arith.constant 0 : i32
      %dma_start3A_163 = tpu.memref_slice %arg2[%mul3A_2, %dma_start3A_162] : memref<6400x128xi32, #tpu.memory_space<hbm>> -> memref<200x128xi32, #tpu.memory_space<hbm>>
      %dma_start3A_164 = arith.constant 0 : i32
      %dma_start3A_165 = tpu.memref_slice %arg2[%mul3A_2, %dma_start3A_164] : memref<6400x128xi32, #tpu.memory_space<hbm>> -> memref<200x128xi32, #tpu.memory_space<hbm>>
      tpu.enqueue_dma source(%dma_start3A_165 : memref<200x128xi32, #tpu.memory_space<hbm>>) target(%arg6 : memref<200x128xi32, #tpu.memory_space<vmem>>) target_semaphore(%run_scoped3A : memref<!tpu.dma_semaphore, #tpu.memory_space<semaphore_mem>>)
      %dma_wait3A_166 = arith.constant 0 : i32
      %dma_wait3A_167 = tpu.memref_slice %arg2[%mul3A_2, %dma_wait3A_166] : memref<6400x128xi32, #tpu.memory_space<hbm>> -> memref<200x128xi32, #tpu.memory_space<hbm>>
      %dma_wait3A_168 = arith.constant 0 : i32
      %dma_wait3A_169 = tpu.memref_slice %arg2[%mul3A_2, %dma_wait3A_168] : memref<6400x128xi32, #tpu.memory_space<hbm>> -> memref<200x128xi32, #tpu.memory_space<hbm>>
      tpu.wait_dma2 semaphore(%run_scoped3A : memref<!tpu.dma_semaphore, #tpu.memory_space<semaphore_mem>>) src(%dma_wait3A_169 : memref<200x128xi32, #tpu.memory_space<hbm>>) dst(%arg6 : memref<200x128xi32, #tpu.memory_space<vmem>>)
      tpu.yield
    }) : () -> ()
    %dma_start3A = arith.constant 0 : i32
    %dma_start3A_3 = arith.constant 0 : i32
    %dma_start3A_4 = tpu.memref_slice %arg6[%dma_start3A, %dma_start3A_3] : memref<200x128xi32, #tpu.memory_space<vmem>> -> memref<1x128xi32, #tpu.memory_space<vmem>>
    %dma_start3A_5 = tpu.memref_squeeze %dma_start3A_4 : memref<1x128xi32, #tpu.memory_space<vmem>> -> memref<128xi32, #tpu.memory_space<vmem>>
    %dma_start3A_6 = arith.constant 0 : i32
    %dma_start3A_7 = arith.constant 0 : i32
    %dma_start3A_8 = tpu.memref_slice %arg3[%dma_start3A_6, %dma_start3A_7] : memref<1000000x64xf32, #tpu.memory_space<hbm>> -> memref<1000000x64xf32, #tpu.memory_space<hbm>>
    tpu.enqueue_indirect_dma source(%dma_start3A_8 : memref<1000000x64xf32, #tpu.memory_space<hbm>>) target(%arg8 : memref<128x64xf32, #tpu.memory_space<vmem>>) offsets(%dma_start3A_5 : memref<128xi32, #tpu.memory_space<vmem>>) semaphore(%arg16 : memref<!tpu.dma_semaphore, #tpu.memory_space<semaphore_mem>>)
    %dma_start3A_9 = arith.constant 1 : i32
    %dma_start3A_10 = arith.constant 0 : i32
    %dma_start3A_11 = tpu.memref_slice %arg6[%dma_start3A_9, %dma_start3A_10] : memref<200x128xi32, #tpu.memory_space<vmem>> -> memref<1x128xi32, #tpu.memory_space<vmem>>
    %dma_start3A_12 = tpu.memref_squeeze %dma_start3A_11 : memref<1x128xi32, #tpu.memory_space<vmem>> -> memref<128xi32, #tpu.memory_space<vmem>>
    %dma_start3A_13 = arith.constant 0 : i32
    %dma_start3A_14 = arith.constant 0 : i32
    %dma_start3A_15 = tpu.memref_slice %arg3[%dma_start3A_13, %dma_start3A_14] : memref<1000000x64xf32, #tpu.memory_space<hbm>> -> memref<1000000x64xf32, #tpu.memory_space<hbm>>
    tpu.enqueue_indirect_dma source(%dma_start3A_15 : memref<1000000x64xf32, #tpu.memory_space<hbm>>) target(%arg9 : memref<128x64xf32, #tpu.memory_space<vmem>>) offsets(%dma_start3A_12 : memref<128xi32, #tpu.memory_space<vmem>>) semaphore(%arg17 : memref<!tpu.dma_semaphore, #tpu.memory_space<semaphore_mem>>)
    %dma_start3A_16 = arith.constant 2 : i32
    %dma_start3A_17 = arith.constant 0 : i32
    %dma_start3A_18 = tpu.memref_slice %arg6[%dma_start3A_16, %dma_start3A_17] : memref<200x128xi32, #tpu.memory_space<vmem>> -> memref<1x128xi32, #tpu.memory_space<vmem>>
    %dma_start3A_19 = tpu.memref_squeeze %dma_start3A_18 : memref<1x128xi32, #tpu.memory_space<vmem>> -> memref<128xi32, #tpu.memory_space<vmem>>
    %dma_start3A_20 = arith.constant 0 : i32
    %dma_start3A_21 = arith.constant 0 : i32
    %dma_start3A_22 = tpu.memref_slice %arg3[%dma_start3A_20, %dma_start3A_21] : memref<1000000x64xf32, #tpu.memory_space<hbm>> -> memref<1000000x64xf32, #tpu.memory_space<hbm>>
    tpu.enqueue_indirect_dma source(%dma_start3A_22 : memref<1000000x64xf32, #tpu.memory_space<hbm>>) target(%arg10 : memref<128x64xf32, #tpu.memory_space<vmem>>) offsets(%dma_start3A_19 : memref<128xi32, #tpu.memory_space<vmem>>) semaphore(%arg18 : memref<!tpu.dma_semaphore, #tpu.memory_space<semaphore_mem>>)
    %dma_start3A_23 = arith.constant 3 : i32
    %dma_start3A_24 = arith.constant 0 : i32
    %dma_start3A_25 = tpu.memref_slice %arg6[%dma_start3A_23, %dma_start3A_24] : memref<200x128xi32, #tpu.memory_space<vmem>> -> memref<1x128xi32, #tpu.memory_space<vmem>>
    %dma_start3A_26 = tpu.memref_squeeze %dma_start3A_25 : memref<1x128xi32, #tpu.memory_space<vmem>> -> memref<128xi32, #tpu.memory_space<vmem>>
    %dma_start3A_27 = arith.constant 0 : i32
    %dma_start3A_28 = arith.constant 0 : i32
    %dma_start3A_29 = tpu.memref_slice %arg3[%dma_start3A_27, %dma_start3A_28] : memref<1000000x64xf32, #tpu.memory_space<hbm>> -> memref<1000000x64xf32, #tpu.memory_space<hbm>>
    tpu.enqueue_indirect_dma source(%dma_start3A_29 : memref<1000000x64xf32, #tpu.memory_space<hbm>>) target(%arg11 : memref<128x64xf32, #tpu.memory_space<vmem>>) offsets(%dma_start3A_26 : memref<128xi32, #tpu.memory_space<vmem>>) semaphore(%arg19 : memref<!tpu.dma_semaphore, #tpu.memory_space<semaphore_mem>>)
    %dma_start3A_30 = arith.constant 4 : i32
    %dma_start3A_31 = arith.constant 0 : i32
    %dma_start3A_32 = tpu.memref_slice %arg6[%dma_start3A_30, %dma_start3A_31] : memref<200x128xi32, #tpu.memory_space<vmem>> -> memref<1x128xi32, #tpu.memory_space<vmem>>
    %dma_start3A_33 = tpu.memref_squeeze %dma_start3A_32 : memref<1x128xi32, #tpu.memory_space<vmem>> -> memref<128xi32, #tpu.memory_space<vmem>>
    %dma_start3A_34 = arith.constant 0 : i32
    %dma_start3A_35 = arith.constant 0 : i32
    %dma_start3A_36 = tpu.memref_slice %arg3[%dma_start3A_34, %dma_start3A_35] : memref<1000000x64xf32, #tpu.memory_space<hbm>> -> memref<1000000x64xf32, #tpu.memory_space<hbm>>
    tpu.enqueue_indirect_dma source(%dma_start3A_36 : memref<1000000x64xf32, #tpu.memory_space<hbm>>) target(%arg12 : memref<128x64xf32, #tpu.memory_space<vmem>>) offsets(%dma_start3A_33 : memref<128xi32, #tpu.memory_space<vmem>>) semaphore(%arg20 : memref<!tpu.dma_semaphore, #tpu.memory_space<semaphore_mem>>)
    %dma_start3A_37 = arith.constant 5 : i32
    %dma_start3A_38 = arith.constant 0 : i32
    %dma_start3A_39 = tpu.memref_slice %arg6[%dma_start3A_37, %dma_start3A_38] : memref<200x128xi32, #tpu.memory_space<vmem>> -> memref<1x128xi32, #tpu.memory_space<vmem>>
    %dma_start3A_40 = tpu.memref_squeeze %dma_start3A_39 : memref<1x128xi32, #tpu.memory_space<vmem>> -> memref<128xi32, #tpu.memory_space<vmem>>
    %dma_start3A_41 = arith.constant 0 : i32
    %dma_start3A_42 = arith.constant 0 : i32
    %dma_start3A_43 = tpu.memref_slice %arg3[%dma_start3A_41, %dma_start3A_42] : memref<1000000x64xf32, #tpu.memory_space<hbm>> -> memref<1000000x64xf32, #tpu.memory_space<hbm>>
    tpu.enqueue_indirect_dma source(%dma_start3A_43 : memref<1000000x64xf32, #tpu.memory_space<hbm>>) target(%arg13 : memref<128x64xf32, #tpu.memory_space<vmem>>) offsets(%dma_start3A_40 : memref<128xi32, #tpu.memory_space<vmem>>) semaphore(%arg21 : memref<!tpu.dma_semaphore, #tpu.memory_space<semaphore_mem>>)
    %dma_start3A_44 = arith.constant 6 : i32
    %dma_start3A_45 = arith.constant 0 : i32
    %dma_start3A_46 = tpu.memref_slice %arg6[%dma_start3A_44, %dma_start3A_45] : memref<200x128xi32, #tpu.memory_space<vmem>> -> memref<1x128xi32, #tpu.memory_space<vmem>>
    %dma_start3A_47 = tpu.memref_squeeze %dma_start3A_46 : memref<1x128xi32, #tpu.memory_space<vmem>> -> memref<128xi32, #tpu.memory_space<vmem>>
    %dma_start3A_48 = arith.constant 0 : i32
    %dma_start3A_49 = arith.constant 0 : i32
    %dma_start3A_50 = tpu.memref_slice %arg3[%dma_start3A_48, %dma_start3A_49] : memref<1000000x64xf32, #tpu.memory_space<hbm>> -> memref<1000000x64xf32, #tpu.memory_space<hbm>>
    tpu.enqueue_indirect_dma source(%dma_start3A_50 : memref<1000000x64xf32, #tpu.memory_space<hbm>>) target(%arg14 : memref<128x64xf32, #tpu.memory_space<vmem>>) offsets(%dma_start3A_47 : memref<128xi32, #tpu.memory_space<vmem>>) semaphore(%arg22 : memref<!tpu.dma_semaphore, #tpu.memory_space<semaphore_mem>>)
    %dma_start3A_51 = arith.constant 7 : i32
    %dma_start3A_52 = arith.constant 0 : i32
    %dma_start3A_53 = tpu.memref_slice %arg6[%dma_start3A_51, %dma_start3A_52] : memref<200x128xi32, #tpu.memory_space<vmem>> -> memref<1x128xi32, #tpu.memory_space<vmem>>
    %dma_start3A_54 = tpu.memref_squeeze %dma_start3A_53 : memref<1x128xi32, #tpu.memory_space<vmem>> -> memref<128xi32, #tpu.memory_space<vmem>>
    %dma_start3A_55 = arith.constant 0 : i32
    %dma_start3A_56 = arith.constant 0 : i32
    %dma_start3A_57 = tpu.memref_slice %arg3[%dma_start3A_55, %dma_start3A_56] : memref<1000000x64xf32, #tpu.memory_space<hbm>> -> memref<1000000x64xf32, #tpu.memory_space<hbm>>
    tpu.enqueue_indirect_dma source(%dma_start3A_57 : memref<1000000x64xf32, #tpu.memory_space<hbm>>) target(%arg15 : memref<128x64xf32, #tpu.memory_space<vmem>>) offsets(%dma_start3A_54 : memref<128xi32, #tpu.memory_space<vmem>>) semaphore(%arg23 : memref<!tpu.dma_semaphore, #tpu.memory_space<semaphore_mem>>)
    %scan3A = arith.constant 0 : i32
    %scan3A_58 = arith.constant 200 : i32
    %scan3A_59 = arith.addi %scan3A, %scan3A_58 : i32
    %scan3A_60 = arith.constant 1 : i32
    scf.for %scan3A_162 = %scan3A to %scan3A_59 step %scan3A_60  : i32 {
      %mul3A_163 = arith.constant 1 : i32
      %mul3A_164 = arith.muli %scan3A_162, %mul3A_163 : i32
      %add3A_165 = arith.constant 0 : i32
      %add3A_166 = arith.addi %add3A_165, %mul3A_164 : i32
      %get3A = arith.index_cast %add3A_166 : i32 to index
      %get3A_167 = arith.constant 0 : index
      %get3A_168 = tpu.vector_load %arg6[%get3A, %get3A_167] {strides = array<i32>} : memref<200x128xi32, #tpu.memory_space<vmem>>, vector<1x16xi32>,
      %get3A_169 = vector.shape_cast %get3A_168 : vector<1x16xi32> to vector<16xi32>
      %ne3A = arith.constant 0 : i32
      %ne3A_170 = vector.broadcast %ne3A : i32 to vector<16xi32>
      %ne3A_171 = arith.cmpi ne, %get3A_169, %ne3A_170 : vector<16xi32>
      %jit3A = arith.constant 1.000000e+00 : f32
      %jit3A_172 = arith.constant 0.000000e+00 : f32
      %broadcast_in_dim3A = vector.broadcast %jit3A : f32 to vector<16xf32>
      %broadcast_in_dim3A_173 = vector.broadcast %jit3A_172 : f32 to vector<16xf32>
      %select_n3A = arith.select %ne3A_171, %broadcast_in_dim3A, %broadcast_in_dim3A_173 : vector<16xi1>, vector<16xf32>
      %swap3A = arith.index_cast %add3A_166 : i32 to index
      %swap3A_174 = arith.constant 0 : index
      %swap3A_175 = tpu.vector_load %arg7[%swap3A, %swap3A_174] {strides = array<i32>} : memref<200x128xf32, #tpu.memory_space<vmem>>, vector<1x16xf32>,
      %swap3A_176 = vector.shape_cast %swap3A_175 : vector<1x16xf32> to vector<16xf32>
      %swap3A_177 = vector.shape_cast %select_n3A : vector<16xf32> to vector<1x16xf32>
      tpu.vector_store %arg7[%swap3A, %swap3A_174], %swap3A_177 {strides = array<i32>} : memref<200x128xf32, #tpu.memory_space<vmem>>, vector<1x16xf32>,
      %get3A_178 = arith.index_cast %add3A_166 : i32 to index
      %get3A_179 = arith.constant 16 : index
      %get3A_180 = tpu.vector_load %arg6[%get3A_178, %get3A_179] {strides = array<i32>} : memref<200x128xi32, #tpu.memory_space<vmem>>, vector<1x16xi32>,
      %get3A_181 = vector.shape_cast %get3A_180 : vector<1x16xi32> to vector<16xi32>
      %ne3A_182 = arith.constant 0 : i32
      %ne3A_183 = vector.broadcast %ne3A_182 : i32 to vector<16xi32>
      %ne3A_184 = arith.cmpi ne, %get3A_181, %ne3A_183 : vector<16xi32>
      %jit3A_185 = arith.constant 1.000000e+00 : f32
      %jit3A_186 = arith.constant 0.000000e+00 : f32
      %broadcast_in_dim3A_187 = vector.broadcast %jit3A_185 : f32 to vector<16xf32>
      %broadcast_in_dim3A_188 = vector.broadcast %jit3A_186 : f32 to vector<16xf32>
      %select_n3A_189 = arith.select %ne3A_184, %broadcast_in_dim3A_187, %broadcast_in_dim3A_188 : vector<16xi1>, vector<16xf32>
      %swap3A_190 = arith.index_cast %add3A_166 : i32 to index
      %swap3A_191 = arith.constant 16 : index
      %swap3A_192 = tpu.vector_load %arg7[%swap3A_190, %swap3A_191] {strides = array<i32>} : memref<200x128xf32, #tpu.memory_space<vmem>>, vector<1x16xf32>,
      %swap3A_193 = vector.shape_cast %swap3A_192 : vector<1x16xf32> to vector<16xf32>
      %swap3A_194 = vector.shape_cast %select_n3A_189 : vector<16xf32> to vector<1x16xf32>
      tpu.vector_store %arg7[%swap3A_190, %swap3A_191], %swap3A_194 {strides = array<i32>} : memref<200x128xf32, #tpu.memory_space<vmem>>, vector<1x16xf32>,
      %get3A_195 = arith.index_cast %add3A_166 : i32 to index
      %get3A_196 = arith.constant 32 : index
      %get3A_197 = tpu.vector_load %arg6[%get3A_195, %get3A_196] {strides = array<i32>} : memref<200x128xi32, #tpu.memory_space<vmem>>, vector<1x16xi32>,
      %get3A_198 = vector.shape_cast %get3A_197 : vector<1x16xi32> to vector<16xi32>
      %ne3A_199 = arith.constant 0 : i32
      %ne3A_200 = vector.broadcast %ne3A_199 : i32 to vector<16xi32>
      %ne3A_201 = arith.cmpi ne, %get3A_198, %ne3A_200 : vector<16xi32>
      %jit3A_202 = arith.constant 1.000000e+00 : f32
      %jit3A_203 = arith.constant 0.000000e+00 : f32
      %broadcast_in_dim3A_204 = vector.broadcast %jit3A_202 : f32 to vector<16xf32>
      %broadcast_in_dim3A_205 = vector.broadcast %jit3A_203 : f32 to vector<16xf32>
      %select_n3A_206 = arith.select %ne3A_201, %broadcast_in_dim3A_204, %broadcast_in_dim3A_205 : vector<16xi1>, vector<16xf32>
      %swap3A_207 = arith.index_cast %add3A_166 : i32 to index
      %swap3A_208 = arith.constant 32 : index
      %swap3A_209 = tpu.vector_load %arg7[%swap3A_207, %swap3A_208] {strides = array<i32>} : memref<200x128xf32, #tpu.memory_space<vmem>>, vector<1x16xf32>,
      %swap3A_210 = vector.shape_cast %swap3A_209 : vector<1x16xf32> to vector<16xf32>
      %swap3A_211 = vector.shape_cast %select_n3A_206 : vector<16xf32> to vector<1x16xf32>
      tpu.vector_store %arg7[%swap3A_207, %swap3A_208], %swap3A_211 {strides = array<i32>} : memref<200x128xf32, #tpu.memory_space<vmem>>, vector<1x16xf32>,
      %get3A_212 = arith.index_cast %add3A_166 : i32 to index
      %get3A_213 = arith.constant 48 : index
      %get3A_214 = tpu.vector_load %arg6[%get3A_212, %get3A_213] {strides = array<i32>} : memref<200x128xi32, #tpu.memory_space<vmem>>, vector<1x16xi32>,
      %get3A_215 = vector.shape_cast %get3A_214 : vector<1x16xi32> to vector<16xi32>
      %ne3A_216 = arith.constant 0 : i32
      %ne3A_217 = vector.broadcast %ne3A_216 : i32 to vector<16xi32>
      %ne3A_218 = arith.cmpi ne, %get3A_215, %ne3A_217 : vector<16xi32>
      %jit3A_219 = arith.constant 1.000000e+00 : f32
      %jit3A_220 = arith.constant 0.000000e+00 : f32
      %broadcast_in_dim3A_221 = vector.broadcast %jit3A_219 : f32 to vector<16xf32>
      %broadcast_in_dim3A_222 = vector.broadcast %jit3A_220 : f32 to vector<16xf32>
      %select_n3A_223 = arith.select %ne3A_218, %broadcast_in_dim3A_221, %broadcast_in_dim3A_222 : vector<16xi1>, vector<16xf32>
      %swap3A_224 = arith.index_cast %add3A_166 : i32 to index
      %swap3A_225 = arith.constant 48 : index
      %swap3A_226 = tpu.vector_load %arg7[%swap3A_224, %swap3A_225] {strides = array<i32>} : memref<200x128xf32, #tpu.memory_space<vmem>>, vector<1x16xf32>,
      %swap3A_227 = vector.shape_cast %swap3A_226 : vector<1x16xf32> to vector<16xf32>
      %swap3A_228 = vector.shape_cast %select_n3A_223 : vector<16xf32> to vector<1x16xf32>
      tpu.vector_store %arg7[%swap3A_224, %swap3A_225], %swap3A_228 {strides = array<i32>} : memref<200x128xf32, #tpu.memory_space<vmem>>, vector<1x16xf32>,
      %get3A_229 = arith.index_cast %add3A_166 : i32 to index
      %get3A_230 = arith.constant 64 : index
      %get3A_231 = tpu.vector_load %arg6[%get3A_229, %get3A_230] {strides = array<i32>} : memref<200x128xi32, #tpu.memory_space<vmem>>, vector<1x16xi32>,
      %get3A_232 = vector.shape_cast %get3A_231 : vector<1x16xi32> to vector<16xi32>
      %ne3A_233 = arith.constant 0 : i32
      %ne3A_234 = vector.broadcast %ne3A_233 : i32 to vector<16xi32>
      %ne3A_235 = arith.cmpi ne, %get3A_232, %ne3A_234 : vector<16xi32>
      %jit3A_236 = arith.constant 1.000000e+00 : f32
      %jit3A_237 = arith.constant 0.000000e+00 : f32
      %broadcast_in_dim3A_238 = vector.broadcast %jit3A_236 : f32 to vector<16xf32>
      %broadcast_in_dim3A_239 = vector.broadcast %jit3A_237 : f32 to vector<16xf32>
      %select_n3A_240 = arith.select %ne3A_235, %broadcast_in_dim3A_238, %broadcast_in_dim3A_239 : vector<16xi1>, vector<16xf32>
      %swap3A_241 = arith.index_cast %add3A_166 : i32 to index
      %swap3A_242 = arith.constant 64 : index
      %swap3A_243 = tpu.vector_load %arg7[%swap3A_241, %swap3A_242] {strides = array<i32>} : memref<200x128xf32, #tpu.memory_space<vmem>>, vector<1x16xf32>,
      %swap3A_244 = vector.shape_cast %swap3A_243 : vector<1x16xf32> to vector<16xf32>
      %swap3A_245 = vector.shape_cast %select_n3A_240 : vector<16xf32> to vector<1x16xf32>
      tpu.vector_store %arg7[%swap3A_241, %swap3A_242], %swap3A_245 {strides = array<i32>} : memref<200x128xf32, #tpu.memory_space<vmem>>, vector<1x16xf32>,
      %get3A_246 = arith.index_cast %add3A_166 : i32 to index
      %get3A_247 = arith.constant 80 : index
      %get3A_248 = tpu.vector_load %arg6[%get3A_246, %get3A_247] {strides = array<i32>} : memref<200x128xi32, #tpu.memory_space<vmem>>, vector<1x16xi32>,
      %get3A_249 = vector.shape_cast %get3A_248 : vector<1x16xi32> to vector<16xi32>
      %ne3A_250 = arith.constant 0 : i32
      %ne3A_251 = vector.broadcast %ne3A_250 : i32 to vector<16xi32>
      %ne3A_252 = arith.cmpi ne, %get3A_249, %ne3A_251 : vector<16xi32>
      %jit3A_253 = arith.constant 1.000000e+00 : f32
      %jit3A_254 = arith.constant 0.000000e+00 : f32
      %broadcast_in_dim3A_255 = vector.broadcast %jit3A_253 : f32 to vector<16xf32>
      %broadcast_in_dim3A_256 = vector.broadcast %jit3A_254 : f32 to vector<16xf32>
      %select_n3A_257 = arith.select %ne3A_252, %broadcast_in_dim3A_255, %broadcast_in_dim3A_256 : vector<16xi1>, vector<16xf32>
      %swap3A_258 = arith.index_cast %add3A_166 : i32 to index
      %swap3A_259 = arith.constant 80 : index
      %swap3A_260 = tpu.vector_load %arg7[%swap3A_258, %swap3A_259] {strides = array<i32>} : memref<200x128xf32, #tpu.memory_space<vmem>>, vector<1x16xf32>,
      %swap3A_261 = vector.shape_cast %swap3A_260 : vector<1x16xf32> to vector<16xf32>
      %swap3A_262 = vector.shape_cast %select_n3A_257 : vector<16xf32> to vector<1x16xf32>
      tpu.vector_store %arg7[%swap3A_258, %swap3A_259], %swap3A_262 {strides = array<i32>} : memref<200x128xf32, #tpu.memory_space<vmem>>, vector<1x16xf32>,
      %get3A_263 = arith.index_cast %add3A_166 : i32 to index
      %get3A_264 = arith.constant 96 : index
      %get3A_265 = tpu.vector_load %arg6[%get3A_263, %get3A_264] {strides = array<i32>} : memref<200x128xi32, #tpu.memory_space<vmem>>, vector<1x16xi32>,
      %get3A_266 = vector.shape_cast %get3A_265 : vector<1x16xi32> to vector<16xi32>
      %ne3A_267 = arith.constant 0 : i32
      %ne3A_268 = vector.broadcast %ne3A_267 : i32 to vector<16xi32>
      %ne3A_269 = arith.cmpi ne, %get3A_266, %ne3A_268 : vector<16xi32>
      %jit3A_270 = arith.constant 1.000000e+00 : f32
      %jit3A_271 = arith.constant 0.000000e+00 : f32
      %broadcast_in_dim3A_272 = vector.broadcast %jit3A_270 : f32 to vector<16xf32>
      %broadcast_in_dim3A_273 = vector.broadcast %jit3A_271 : f32 to vector<16xf32>
      %select_n3A_274 = arith.select %ne3A_269, %broadcast_in_dim3A_272, %broadcast_in_dim3A_273 : vector<16xi1>, vector<16xf32>
      %swap3A_275 = arith.index_cast %add3A_166 : i32 to index
      %swap3A_276 = arith.constant 96 : index
      %swap3A_277 = tpu.vector_load %arg7[%swap3A_275, %swap3A_276] {strides = array<i32>} : memref<200x128xf32, #tpu.memory_space<vmem>>, vector<1x16xf32>,
      %swap3A_278 = vector.shape_cast %swap3A_277 : vector<1x16xf32> to vector<16xf32>
      %swap3A_279 = vector.shape_cast %select_n3A_274 : vector<16xf32> to vector<1x16xf32>
      tpu.vector_store %arg7[%swap3A_275, %swap3A_276], %swap3A_279 {strides = array<i32>} : memref<200x128xf32, #tpu.memory_space<vmem>>, vector<1x16xf32>,
      %get3A_280 = arith.index_cast %add3A_166 : i32 to index
      %get3A_281 = arith.constant 112 : index
      %get3A_282 = tpu.vector_load %arg6[%get3A_280, %get3A_281] {strides = array<i32>} : memref<200x128xi32, #tpu.memory_space<vmem>>, vector<1x16xi32>,
      %get3A_283 = vector.shape_cast %get3A_282 : vector<1x16xi32> to vector<16xi32>
      %ne3A_284 = arith.constant 0 : i32
      %ne3A_285 = vector.broadcast %ne3A_284 : i32 to vector<16xi32>
      %ne3A_286 = arith.cmpi ne, %get3A_283, %ne3A_285 : vector<16xi32>
      %jit3A_287 = arith.constant 1.000000e+00 : f32
      %jit3A_288 = arith.constant 0.000000e+00 : f32
      %broadcast_in_dim3A_289 = vector.broadcast %jit3A_287 : f32 to vector<16xf32>
      %broadcast_in_dim3A_290 = vector.broadcast %jit3A_288 : f32 to vector<16xf32>
      %select_n3A_291 = arith.select %ne3A_286, %broadcast_in_dim3A_289, %broadcast_in_dim3A_290 : vector<16xi1>, vector<16xf32>
      %swap3A_292 = arith.index_cast %add3A_166 : i32 to index
      %swap3A_293 = arith.constant 112 : index
      %swap3A_294 = tpu.vector_load %arg7[%swap3A_292, %swap3A_293] {strides = array<i32>} : memref<200x128xf32, #tpu.memory_space<vmem>>, vector<1x16xf32>,
      %swap3A_295 = vector.shape_cast %swap3A_294 : vector<1x16xf32> to vector<16xf32>
      %swap3A_296 = vector.shape_cast %select_n3A_291 : vector<16xf32> to vector<1x16xf32>
      tpu.vector_store %arg7[%swap3A_292, %swap3A_293], %swap3A_296 {strides = array<i32>} : memref<200x128xf32, #tpu.memory_space<vmem>>, vector<1x16xf32>,
    }
    %scan3A_61 = arith.constant 200 : i32
    %dma_start3A_62 = arith.constant 0 : i32
    %dma_start3A_63 = tpu.memref_slice %arg5[%mul3A_2, %dma_start3A_62] : memref<6400x128xf32, #tpu.memory_space<hbm>> -> memref<200x128xf32, #tpu.memory_space<hbm>>
    %dma_start3A_64 = arith.constant 0 : i32
    %dma_start3A_65 = tpu.memref_slice %arg5[%mul3A_2, %dma_start3A_64] : memref<6400x128xf32, #tpu.memory_space<hbm>> -> memref<200x128xf32, #tpu.memory_space<hbm>>
    tpu.enqueue_dma source(%arg7 : memref<200x128xf32, #tpu.memory_space<vmem>>) target(%dma_start3A_65 : memref<200x128xf32, #tpu.memory_space<hbm>>) target_semaphore(%arg24 : memref<!tpu.dma_semaphore, #tpu.memory_space<semaphore_mem>>)
    %scan3A_66 = arith.constant 0 : i32
    %scan3A_67 = arith.constant 24 : i32
    %scan3A_68 = arith.addi %scan3A_66, %scan3A_67 : i32
    %scan3A_69 = arith.constant 1 : i32
    scf.for %scan3A_162 = %scan3A_66 to %scan3A_68 step %scan3A_69  : i32 {
      %mul3A_163 = arith.constant 1 : i32
      %mul3A_164 = arith.muli %scan3A_162, %mul3A_163 : i32
      %add3A_165 = arith.constant 0 : i32
      %add3A_166 = arith.addi %add3A_165, %mul3A_164 : i32
      %mul3A_167 = arith.constant 8 : i32
      %mul3A_168 = arith.muli %add3A_166, %mul3A_167 : i32
      %add3A_169 = arith.constant 0 : i32
      %add3A_170 = arith.addi %mul3A_168, %add3A_169 : i32
      %dma_wait3A_171 = arith.constant 0 : i32
      %dma_wait3A_172 = tpu.memref_slice %arg6[%add3A_170, %dma_wait3A_171] : memref<200x128xi32, #tpu.memory_space<vmem>> -> memref<1x128xi32, #tpu.memory_space<vmem>>
      %dma_wait3A_173 = tpu.memref_squeeze %dma_wait3A_172 : memref<1x128xi32, #tpu.memory_space<vmem>> -> memref<128xi32, #tpu.memory_space<vmem>>
      %dma_wait3A_174 = arith.constant 0 : i32
      %dma_wait3A_175 = arith.constant 0 : i32
      %dma_wait3A_176 = tpu.memref_slice %arg3[%dma_wait3A_174, %dma_wait3A_175] : memref<1000000x64xf32, #tpu.memory_space<hbm>> -> memref<1000000x64xf32, #tpu.memory_space<hbm>>
      tpu.wait_indirect_dma semaphore(%arg16 : memref<!tpu.dma_semaphore, #tpu.memory_space<semaphore_mem>>) src(%dma_wait3A_176 : memref<1000000x64xf32, #tpu.memory_space<hbm>>) dst(%arg8 : memref<128x64xf32, #tpu.memory_space<vmem>>)
      %add3A_177 = arith.addi %mul3A_2, %add3A_170 : i32
      %mul3A_178 = arith.constant 128 : i32
      %mul3A_179 = arith.muli %add3A_177, %mul3A_178 : i32
      "tpu.region"() ({
        %run_scoped3A = tpu.sem_alloc : memref<!tpu.dma_semaphore, #tpu.memory_space<semaphore_mem>>
        %dma_start3A_335 = arith.constant 0 : i32
        %dma_start3A_336 = tpu.memref_slice %arg4[%mul3A_179, %dma_start3A_335] : memref<819200x64xf32, #tpu.memory_space<hbm>> -> memref<128x64xf32, #tpu.memory_space<hbm>>
        %dma_start3A_337 = arith.constant 0 : i32
        %dma_start3A_338 = tpu.memref_slice %arg4[%mul3A_179, %dma_start3A_337] : memref<819200x64xf32, #tpu.memory_space<hbm>> -> memref<128x64xf32, #tpu.memory_space<hbm>>
        tpu.enqueue_dma source(%arg8 : memref<128x64xf32, #tpu.memory_space<vmem>>) target(%dma_start3A_338 : memref<128x64xf32, #tpu.memory_space<hbm>>) target_semaphore(%run_scoped3A : memref<!tpu.dma_semaphore, #tpu.memory_space<semaphore_mem>>)
        %dma_wait3A_339 = arith.constant 0 : i32
        %dma_wait3A_340 = tpu.memref_slice %arg4[%mul3A_179, %dma_wait3A_339] : memref<819200x64xf32, #tpu.memory_space<hbm>> -> memref<128x64xf32, #tpu.memory_space<hbm>>
        %dma_wait3A_341 = arith.constant 0 : i32
        %dma_wait3A_342 = tpu.memref_slice %arg4[%mul3A_179, %dma_wait3A_341] : memref<819200x64xf32, #tpu.memory_space<hbm>> -> memref<128x64xf32, #tpu.memory_space<hbm>>
        tpu.wait_dma2 semaphore(%run_scoped3A : memref<!tpu.dma_semaphore, #tpu.memory_space<semaphore_mem>>) src(%arg8 : memref<128x64xf32, #tpu.memory_space<vmem>>) dst(%dma_wait3A_342 : memref<128x64xf32, #tpu.memory_space<hbm>>)
        tpu.yield
      }) : () -> ()
      %add3A_180 = arith.constant 8 : i32
      %add3A_181 = arith.addi %add3A_170, %add3A_180 : i32
      %dma_start3A_182 = arith.constant 0 : i32
      %dma_start3A_183 = tpu.memref_slice %arg6[%add3A_181, %dma_start3A_182] : memref<200x128xi32, #tpu.memory_space<vmem>> -> memref<1x128xi32, #tpu.memory_space<vmem>>
      %dma_start3A_184 = tpu.memref_squeeze %dma_start3A_183 : memref<1x128xi32, #tpu.memory_space<vmem>> -> memref<128xi32, #tpu.memory_space<vmem>>
      %dma_start3A_185 = arith.constant 0 : i32
      %dma_start3A_186 = arith.constant 0 : i32
      %dma_start3A_187 = tpu.memref_slice %arg3[%dma_start3A_185, %dma_start3A_186] : memref<1000000x64xf32, #tpu.memory_space<hbm>> -> memref<1000000x64xf32, #tpu.memory_space<hbm>>
      tpu.enqueue_indirect_dma source(%dma_start3A_187 : memref<1000000x64xf32, #tpu.memory_space<hbm>>) target(%arg8 : memref<128x64xf32, #tpu.memory_space<vmem>>) offsets(%dma_start3A_184 : memref<128xi32, #tpu.memory_space<vmem>>) semaphore(%arg16 : memref<!tpu.dma_semaphore, #tpu.memory_space<semaphore_mem>>)
      %mul3A_188 = arith.constant 8 : i32
      %mul3A_189 = arith.muli %add3A_166, %mul3A_188 : i32
      %add3A_190 = arith.constant 1 : i32
      %add3A_191 = arith.addi %mul3A_189, %add3A_190 : i32
      %dma_wait3A_192 = arith.constant 0 : i32
      %dma_wait3A_193 = tpu.memref_slice %arg6[%add3A_191, %dma_wait3A_192] : memref<200x128xi32, #tpu.memory_space<vmem>> -> memref<1x128xi32, #tpu.memory_space<vmem>>
      %dma_wait3A_194 = tpu.memref_squeeze %dma_wait3A_193 : memref<1x128xi32, #tpu.memory_space<vmem>> -> memref<128xi32, #tpu.memory_space<vmem>>
      %dma_wait3A_195 = arith.constant 0 : i32
      %dma_wait3A_196 = arith.constant 0 : i32
      %dma_wait3A_197 = tpu.memref_slice %arg3[%dma_wait3A_195, %dma_wait3A_196] : memref<1000000x64xf32, #tpu.memory_space<hbm>> -> memref<1000000x64xf32, #tpu.memory_space<hbm>>
      tpu.wait_indirect_dma semaphore(%arg17 : memref<!tpu.dma_semaphore, #tpu.memory_space<semaphore_mem>>) src(%dma_wait3A_197 : memref<1000000x64xf32, #tpu.memory_space<hbm>>) dst(%arg9 : memref<128x64xf32, #tpu.memory_space<vmem>>)
      %add3A_198 = arith.addi %mul3A_2, %add3A_191 : i32
      %mul3A_199 = arith.constant 128 : i32
      %mul3A_200 = arith.muli %add3A_198, %mul3A_199 : i32
      "tpu.region"() ({
        %run_scoped3A = tpu.sem_alloc : memref<!tpu.dma_semaphore, #tpu.memory_space<semaphore_mem>>
        %dma_start3A_335 = arith.constant 0 : i32
        %dma_start3A_336 = tpu.memref_slice %arg4[%mul3A_200, %dma_start3A_335] : memref<819200x64xf32, #tpu.memory_space<hbm>> -> memref<128x64xf32, #tpu.memory_space<hbm>>
        %dma_start3A_337 = arith.constant 0 : i32
        %dma_start3A_338 = tpu.memref_slice %arg4[%mul3A_200, %dma_start3A_337] : memref<819200x64xf32, #tpu.memory_space<hbm>> -> memref<128x64xf32, #tpu.memory_space<hbm>>
        tpu.enqueue_dma source(%arg9 : memref<128x64xf32, #tpu.memory_space<vmem>>) target(%dma_start3A_338 : memref<128x64xf32, #tpu.memory_space<hbm>>) target_semaphore(%run_scoped3A : memref<!tpu.dma_semaphore, #tpu.memory_space<semaphore_mem>>)
        %dma_wait3A_339 = arith.constant 0 : i32
        %dma_wait3A_340 = tpu.memref_slice %arg4[%mul3A_200, %dma_wait3A_339] : memref<819200x64xf32, #tpu.memory_space<hbm>> -> memref<128x64xf32, #tpu.memory_space<hbm>>
        %dma_wait3A_341 = arith.constant 0 : i32
        %dma_wait3A_342 = tpu.memref_slice %arg4[%mul3A_200, %dma_wait3A_341] : memref<819200x64xf32, #tpu.memory_space<hbm>> -> memref<128x64xf32, #tpu.memory_space<hbm>>
        tpu.wait_dma2 semaphore(%run_scoped3A : memref<!tpu.dma_semaphore, #tpu.memory_space<semaphore_mem>>) src(%arg9 : memref<128x64xf32, #tpu.memory_space<vmem>>) dst(%dma_wait3A_342 : memref<128x64xf32, #tpu.memory_space<hbm>>)
        tpu.yield
      }) : () -> ()
      %add3A_201 = arith.constant 8 : i32
      %add3A_202 = arith.addi %add3A_191, %add3A_201 : i32
      %dma_start3A_203 = arith.constant 0 : i32
      %dma_start3A_204 = tpu.memref_slice %arg6[%add3A_202, %dma_start3A_203] : memref<200x128xi32, #tpu.memory_space<vmem>> -> memref<1x128xi32, #tpu.memory_space<vmem>>
      %dma_start3A_205 = tpu.memref_squeeze %dma_start3A_204 : memref<1x128xi32, #tpu.memory_space<vmem>> -> memref<128xi32, #tpu.memory_space<vmem>>
      %dma_start3A_206 = arith.constant 0 : i32
      %dma_start3A_207 = arith.constant 0 : i32
      %dma_start3A_208 = tpu.memref_slice %arg3[%dma_start3A_206, %dma_start3A_207] : memref<1000000x64xf32, #tpu.memory_space<hbm>> -> memref<1000000x64xf32, #tpu.memory_space<hbm>>
      tpu.enqueue_indirect_dma source(%dma_start3A_208 : memref<1000000x64xf32, #tpu.memory_space<hbm>>) target(%arg9 : memref<128x64xf32, #tpu.memory_space<vmem>>) offsets(%dma_start3A_205 : memref<128xi32, #tpu.memory_space<vmem>>) semaphore(%arg17 : memref<!tpu.dma_semaphore, #tpu.memory_space<semaphore_mem>>)
      %mul3A_209 = arith.constant 8 : i32
      %mul3A_210 = arith.muli %add3A_166, %mul3A_209 : i32
      %add3A_211 = arith.constant 2 : i32
      %add3A_212 = arith.addi %mul3A_210, %add3A_211 : i32
      %dma_wait3A_213 = arith.constant 0 : i32
      %dma_wait3A_214 = tpu.memref_slice %arg6[%add3A_212, %dma_wait3A_213] : memref<200x128xi32, #tpu.memory_space<vmem>> -> memref<1x128xi32, #tpu.memory_space<vmem>>
      %dma_wait3A_215 = tpu.memref_squeeze %dma_wait3A_214 : memref<1x128xi32, #tpu.memory_space<vmem>> -> memref<128xi32, #tpu.memory_space<vmem>>
      %dma_wait3A_216 = arith.constant 0 : i32
      %dma_wait3A_217 = arith.constant 0 : i32
      %dma_wait3A_218 = tpu.memref_slice %arg3[%dma_wait3A_216, %dma_wait3A_217] : memref<1000000x64xf32, #tpu.memory_space<hbm>> -> memref<1000000x64xf32, #tpu.memory_space<hbm>>
      tpu.wait_indirect_dma semaphore(%arg18 : memref<!tpu.dma_semaphore, #tpu.memory_space<semaphore_mem>>) src(%dma_wait3A_218 : memref<1000000x64xf32, #tpu.memory_space<hbm>>) dst(%arg10 : memref<128x64xf32, #tpu.memory_space<vmem>>)
      %add3A_219 = arith.addi %mul3A_2, %add3A_212 : i32
      %mul3A_220 = arith.constant 128 : i32
      %mul3A_221 = arith.muli %add3A_219, %mul3A_220 : i32
      "tpu.region"() ({
        %run_scoped3A = tpu.sem_alloc : memref<!tpu.dma_semaphore, #tpu.memory_space<semaphore_mem>>
        %dma_start3A_335 = arith.constant 0 : i32
        %dma_start3A_336 = tpu.memref_slice %arg4[%mul3A_221, %dma_start3A_335] : memref<819200x64xf32, #tpu.memory_space<hbm>> -> memref<128x64xf32, #tpu.memory_space<hbm>>
        %dma_start3A_337 = arith.constant 0 : i32
        %dma_start3A_338 = tpu.memref_slice %arg4[%mul3A_221, %dma_start3A_337] : memref<819200x64xf32, #tpu.memory_space<hbm>> -> memref<128x64xf32, #tpu.memory_space<hbm>>
        tpu.enqueue_dma source(%arg10 : memref<128x64xf32, #tpu.memory_space<vmem>>) target(%dma_start3A_338 : memref<128x64xf32, #tpu.memory_space<hbm>>) target_semaphore(%run_scoped3A : memref<!tpu.dma_semaphore, #tpu.memory_space<semaphore_mem>>)
        %dma_wait3A_339 = arith.constant 0 : i32
        %dma_wait3A_340 = tpu.memref_slice %arg4[%mul3A_221, %dma_wait3A_339] : memref<819200x64xf32, #tpu.memory_space<hbm>> -> memref<128x64xf32, #tpu.memory_space<hbm>>
        %dma_wait3A_341 = arith.constant 0 : i32
        %dma_wait3A_342 = tpu.memref_slice %arg4[%mul3A_221, %dma_wait3A_341] : memref<819200x64xf32, #tpu.memory_space<hbm>> -> memref<128x64xf32, #tpu.memory_space<hbm>>
        tpu.wait_dma2 semaphore(%run_scoped3A : memref<!tpu.dma_semaphore, #tpu.memory_space<semaphore_mem>>) src(%arg10 : memref<128x64xf32, #tpu.memory_space<vmem>>) dst(%dma_wait3A_342 : memref<128x64xf32, #tpu.memory_space<hbm>>)
        tpu.yield
      }) : () -> ()
      %add3A_222 = arith.constant 8 : i32
      %add3A_223 = arith.addi %add3A_212, %add3A_222 : i32
      %dma_start3A_224 = arith.constant 0 : i32
      %dma_start3A_225 = tpu.memref_slice %arg6[%add3A_223, %dma_start3A_224] : memref<200x128xi32, #tpu.memory_space<vmem>> -> memref<1x128xi32, #tpu.memory_space<vmem>>
      %dma_start3A_226 = tpu.memref_squeeze %dma_start3A_225 : memref<1x128xi32, #tpu.memory_space<vmem>> -> memref<128xi32, #tpu.memory_space<vmem>>
      %dma_start3A_227 = arith.constant 0 : i32
      %dma_start3A_228 = arith.constant 0 : i32
      %dma_start3A_229 = tpu.memref_slice %arg3[%dma_start3A_227, %dma_start3A_228] : memref<1000000x64xf32, #tpu.memory_space<hbm>> -> memref<1000000x64xf32, #tpu.memory_space<hbm>>
      tpu.enqueue_indirect_dma source(%dma_start3A_229 : memref<1000000x64xf32, #tpu.memory_space<hbm>>) target(%arg10 : memref<128x64xf32, #tpu.memory_space<vmem>>) offsets(%dma_start3A_226 : memref<128xi32, #tpu.memory_space<vmem>>) semaphore(%arg18 : memref<!tpu.dma_semaphore, #tpu.memory_space<semaphore_mem>>)
      %mul3A_230 = arith.constant 8 : i32
      %mul3A_231 = arith.muli %add3A_166, %mul3A_230 : i32
      %add3A_232 = arith.constant 3 : i32
      %add3A_233 = arith.addi %mul3A_231, %add3A_232 : i32
      %dma_wait3A_234 = arith.constant 0 : i32
      %dma_wait3A_235 = tpu.memref_slice %arg6[%add3A_233, %dma_wait3A_234] : memref<200x128xi32, #tpu.memory_space<vmem>> -> memref<1x128xi32, #tpu.memory_space<vmem>>
      %dma_wait3A_236 = tpu.memref_squeeze %dma_wait3A_235 : memref<1x128xi32, #tpu.memory_space<vmem>> -> memref<128xi32, #tpu.memory_space<vmem>>
      %dma_wait3A_237 = arith.constant 0 : i32
      %dma_wait3A_238 = arith.constant 0 : i32
      %dma_wait3A_239 = tpu.memref_slice %arg3[%dma_wait3A_237, %dma_wait3A_238] : memref<1000000x64xf32, #tpu.memory_space<hbm>> -> memref<1000000x64xf32, #tpu.memory_space<hbm>>
      tpu.wait_indirect_dma semaphore(%arg19 : memref<!tpu.dma_semaphore, #tpu.memory_space<semaphore_mem>>) src(%dma_wait3A_239 : memref<1000000x64xf32, #tpu.memory_space<hbm>>) dst(%arg11 : memref<128x64xf32, #tpu.memory_space<vmem>>)
      %add3A_240 = arith.addi %mul3A_2, %add3A_233 : i32
      %mul3A_241 = arith.constant 128 : i32
      %mul3A_242 = arith.muli %add3A_240, %mul3A_241 : i32
      "tpu.region"() ({
        %run_scoped3A = tpu.sem_alloc : memref<!tpu.dma_semaphore, #tpu.memory_space<semaphore_mem>>
        %dma_start3A_335 = arith.constant 0 : i32
        %dma_start3A_336 = tpu.memref_slice %arg4[%mul3A_242, %dma_start3A_335] : memref<819200x64xf32, #tpu.memory_space<hbm>> -> memref<128x64xf32, #tpu.memory_space<hbm>>
        %dma_start3A_337 = arith.constant 0 : i32
        %dma_start3A_338 = tpu.memref_slice %arg4[%mul3A_242, %dma_start3A_337] : memref<819200x64xf32, #tpu.memory_space<hbm>> -> memref<128x64xf32, #tpu.memory_space<hbm>>
        tpu.enqueue_dma source(%arg11 : memref<128x64xf32, #tpu.memory_space<vmem>>) target(%dma_start3A_338 : memref<128x64xf32, #tpu.memory_space<hbm>>) target_semaphore(%run_scoped3A : memref<!tpu.dma_semaphore, #tpu.memory_space<semaphore_mem>>)
        %dma_wait3A_339 = arith.constant 0 : i32
        %dma_wait3A_340 = tpu.memref_slice %arg4[%mul3A_242, %dma_wait3A_339] : memref<819200x64xf32, #tpu.memory_space<hbm>> -> memref<128x64xf32, #tpu.memory_space<hbm>>
        %dma_wait3A_341 = arith.constant 0 : i32
        %dma_wait3A_342 = tpu.memref_slice %arg4[%mul3A_242, %dma_wait3A_341] : memref<819200x64xf32, #tpu.memory_space<hbm>> -> memref<128x64xf32, #tpu.memory_space<hbm>>
        tpu.wait_dma2 semaphore(%run_scoped3A : memref<!tpu.dma_semaphore, #tpu.memory_space<semaphore_mem>>) src(%arg11 : memref<128x64xf32, #tpu.memory_space<vmem>>) dst(%dma_wait3A_342 : memref<128x64xf32, #tpu.memory_space<hbm>>)
        tpu.yield
      }) : () -> ()
      %add3A_243 = arith.constant 8 : i32
      %add3A_244 = arith.addi %add3A_233, %add3A_243 : i32
      %dma_start3A_245 = arith.constant 0 : i32
      %dma_start3A_246 = tpu.memref_slice %arg6[%add3A_244, %dma_start3A_245] : memref<200x128xi32, #tpu.memory_space<vmem>> -> memref<1x128xi32, #tpu.memory_space<vmem>>
      %dma_start3A_247 = tpu.memref_squeeze %dma_start3A_246 : memref<1x128xi32, #tpu.memory_space<vmem>> -> memref<128xi32, #tpu.memory_space<vmem>>
      %dma_start3A_248 = arith.constant 0 : i32
      %dma_start3A_249 = arith.constant 0 : i32
      %dma_start3A_250 = tpu.memref_slice %arg3[%dma_start3A_248, %dma_start3A_249] : memref<1000000x64xf32, #tpu.memory_space<hbm>> -> memref<1000000x64xf32, #tpu.memory_space<hbm>>
      tpu.enqueue_indirect_dma source(%dma_start3A_250 : memref<1000000x64xf32, #tpu.memory_space<hbm>>) target(%arg11 : memref<128x64xf32, #tpu.memory_space<vmem>>) offsets(%dma_start3A_247 : memref<128xi32, #tpu.memory_space<vmem>>) semaphore(%arg19 : memref<!tpu.dma_semaphore, #tpu.memory_space<semaphore_mem>>)
      %mul3A_251 = arith.constant 8 : i32
      %mul3A_252 = arith.muli %add3A_166, %mul3A_251 : i32
      %add3A_253 = arith.constant 4 : i32
      %add3A_254 = arith.addi %mul3A_252, %add3A_253 : i32
      %dma_wait3A_255 = arith.constant 0 : i32
      %dma_wait3A_256 = tpu.memref_slice %arg6[%add3A_254, %dma_wait3A_255] : memref<200x128xi32, #tpu.memory_space<vmem>> -> memref<1x128xi32, #tpu.memory_space<vmem>>
      %dma_wait3A_257 = tpu.memref_squeeze %dma_wait3A_256 : memref<1x128xi32, #tpu.memory_space<vmem>> -> memref<128xi32, #tpu.memory_space<vmem>>
      %dma_wait3A_258 = arith.constant 0 : i32
      %dma_wait3A_259 = arith.constant 0 : i32
      %dma_wait3A_260 = tpu.memref_slice %arg3[%dma_wait3A_258, %dma_wait3A_259] : memref<1000000x64xf32, #tpu.memory_space<hbm>> -> memref<1000000x64xf32, #tpu.memory_space<hbm>>
      tpu.wait_indirect_dma semaphore(%arg20 : memref<!tpu.dma_semaphore, #tpu.memory_space<semaphore_mem>>) src(%dma_wait3A_260 : memref<1000000x64xf32, #tpu.memory_space<hbm>>) dst(%arg12 : memref<128x64xf32, #tpu.memory_space<vmem>>)
      %add3A_261 = arith.addi %mul3A_2, %add3A_254 : i32
      %mul3A_262 = arith.constant 128 : i32
      %mul3A_263 = arith.muli %add3A_261, %mul3A_262 : i32
      "tpu.region"() ({
        %run_scoped3A = tpu.sem_alloc : memref<!tpu.dma_semaphore, #tpu.memory_space<semaphore_mem>>
        %dma_start3A_335 = arith.constant 0 : i32
        %dma_start3A_336 = tpu.memref_slice %arg4[%mul3A_263, %dma_start3A_335] : memref<819200x64xf32, #tpu.memory_space<hbm>> -> memref<128x64xf32, #tpu.memory_space<hbm>>
        %dma_start3A_337 = arith.constant 0 : i32
        %dma_start3A_338 = tpu.memref_slice %arg4[%mul3A_263, %dma_start3A_337] : memref<819200x64xf32, #tpu.memory_space<hbm>> -> memref<128x64xf32, #tpu.memory_space<hbm>>
        tpu.enqueue_dma source(%arg12 : memref<128x64xf32, #tpu.memory_space<vmem>>) target(%dma_start3A_338 : memref<128x64xf32, #tpu.memory_space<hbm>>) target_semaphore(%run_scoped3A : memref<!tpu.dma_semaphore, #tpu.memory_space<semaphore_mem>>)
        %dma_wait3A_339 = arith.constant 0 : i32
        %dma_wait3A_340 = tpu.memref_slice %arg4[%mul3A_263, %dma_wait3A_339] : memref<819200x64xf32, #tpu.memory_space<hbm>> -> memref<128x64xf32, #tpu.memory_space<hbm>>
        %dma_wait3A_341 = arith.constant 0 : i32
        %dma_wait3A_342 = tpu.memref_slice %arg4[%mul3A_263, %dma_wait3A_341] : memref<819200x64xf32, #tpu.memory_space<hbm>> -> memref<128x64xf32, #tpu.memory_space<hbm>>
        tpu.wait_dma2 semaphore(%run_scoped3A : memref<!tpu.dma_semaphore, #tpu.memory_space<semaphore_mem>>) src(%arg12 : memref<128x64xf32, #tpu.memory_space<vmem>>) dst(%dma_wait3A_342 : memref<128x64xf32, #tpu.memory_space<hbm>>)
        tpu.yield
      }) : () -> ()
      %add3A_264 = arith.constant 8 : i32
      %add3A_265 = arith.addi %add3A_254, %add3A_264 : i32
      %dma_start3A_266 = arith.constant 0 : i32
      %dma_start3A_267 = tpu.memref_slice %arg6[%add3A_265, %dma_start3A_266] : memref<200x128xi32, #tpu.memory_space<vmem>> -> memref<1x128xi32, #tpu.memory_space<vmem>>
      %dma_start3A_268 = tpu.memref_squeeze %dma_start3A_267 : memref<1x128xi32, #tpu.memory_space<vmem>> -> memref<128xi32, #tpu.memory_space<vmem>>
      %dma_start3A_269 = arith.constant 0 : i32
      %dma_start3A_270 = arith.constant 0 : i32
      %dma_start3A_271 = tpu.memref_slice %arg3[%dma_start3A_269, %dma_start3A_270] : memref<1000000x64xf32, #tpu.memory_space<hbm>> -> memref<1000000x64xf32, #tpu.memory_space<hbm>>
      tpu.enqueue_indirect_dma source(%dma_start3A_271 : memref<1000000x64xf32, #tpu.memory_space<hbm>>) target(%arg12 : memref<128x64xf32, #tpu.memory_space<vmem>>) offsets(%dma_start3A_268 : memref<128xi32, #tpu.memory_space<vmem>>) semaphore(%arg20 : memref<!tpu.dma_semaphore, #tpu.memory_space<semaphore_mem>>)
      %mul3A_272 = arith.constant 8 : i32
      %mul3A_273 = arith.muli %add3A_166, %mul3A_272 : i32
      %add3A_274 = arith.constant 5 : i32
      %add3A_275 = arith.addi %mul3A_273, %add3A_274 : i32
      %dma_wait3A_276 = arith.constant 0 : i32
      %dma_wait3A_277 = tpu.memref_slice %arg6[%add3A_275, %dma_wait3A_276] : memref<200x128xi32, #tpu.memory_space<vmem>> -> memref<1x128xi32, #tpu.memory_space<vmem>>
      %dma_wait3A_278 = tpu.memref_squeeze %dma_wait3A_277 : memref<1x128xi32, #tpu.memory_space<vmem>> -> memref<128xi32, #tpu.memory_space<vmem>>
      %dma_wait3A_279 = arith.constant 0 : i32
      %dma_wait3A_280 = arith.constant 0 : i32
      %dma_wait3A_281 = tpu.memref_slice %arg3[%dma_wait3A_279, %dma_wait3A_280] : memref<1000000x64xf32, #tpu.memory_space<hbm>> -> memref<1000000x64xf32, #tpu.memory_space<hbm>>
      tpu.wait_indirect_dma semaphore(%arg21 : memref<!tpu.dma_semaphore, #tpu.memory_space<semaphore_mem>>) src(%dma_wait3A_281 : memref<1000000x64xf32, #tpu.memory_space<hbm>>) dst(%arg13 : memref<128x64xf32, #tpu.memory_space<vmem>>)
      %add3A_282 = arith.addi %mul3A_2, %add3A_275 : i32
      %mul3A_283 = arith.constant 128 : i32
      %mul3A_284 = arith.muli %add3A_282, %mul3A_283 : i32
      "tpu.region"() ({
        %run_scoped3A = tpu.sem_alloc : memref<!tpu.dma_semaphore, #tpu.memory_space<semaphore_mem>>
        %dma_start3A_335 = arith.constant 0 : i32
        %dma_start3A_336 = tpu.memref_slice %arg4[%mul3A_284, %dma_start3A_335] : memref<819200x64xf32, #tpu.memory_space<hbm>> -> memref<128x64xf32, #tpu.memory_space<hbm>>
        %dma_start3A_337 = arith.constant 0 : i32
        %dma_start3A_338 = tpu.memref_slice %arg4[%mul3A_284, %dma_start3A_337] : memref<819200x64xf32, #tpu.memory_space<hbm>> -> memref<128x64xf32, #tpu.memory_space<hbm>>
        tpu.enqueue_dma source(%arg13 : memref<128x64xf32, #tpu.memory_space<vmem>>) target(%dma_start3A_338 : memref<128x64xf32, #tpu.memory_space<hbm>>) target_semaphore(%run_scoped3A : memref<!tpu.dma_semaphore, #tpu.memory_space<semaphore_mem>>)
        %dma_wait3A_339 = arith.constant 0 : i32
        %dma_wait3A_340 = tpu.memref_slice %arg4[%mul3A_284, %dma_wait3A_339] : memref<819200x64xf32, #tpu.memory_space<hbm>> -> memref<128x64xf32, #tpu.memory_space<hbm>>
        %dma_wait3A_341 = arith.constant 0 : i32
        %dma_wait3A_342 = tpu.memref_slice %arg4[%mul3A_284, %dma_wait3A_341] : memref<819200x64xf32, #tpu.memory_space<hbm>> -> memref<128x64xf32, #tpu.memory_space<hbm>>
        tpu.wait_dma2 semaphore(%run_scoped3A : memref<!tpu.dma_semaphore, #tpu.memory_space<semaphore_mem>>) src(%arg13 : memref<128x64xf32, #tpu.memory_space<vmem>>) dst(%dma_wait3A_342 : memref<128x64xf32, #tpu.memory_space<hbm>>)
        tpu.yield
      }) : () -> ()
      %add3A_285 = arith.constant 8 : i32
      %add3A_286 = arith.addi %add3A_275, %add3A_285 : i32
      %dma_start3A_287 = arith.constant 0 : i32
      %dma_start3A_288 = tpu.memref_slice %arg6[%add3A_286, %dma_start3A_287] : memref<200x128xi32, #tpu.memory_space<vmem>> -> memref<1x128xi32, #tpu.memory_space<vmem>>
      %dma_start3A_289 = tpu.memref_squeeze %dma_start3A_288 : memref<1x128xi32, #tpu.memory_space<vmem>> -> memref<128xi32, #tpu.memory_space<vmem>>
      %dma_start3A_290 = arith.constant 0 : i32
      %dma_start3A_291 = arith.constant 0 : i32
      %dma_start3A_292 = tpu.memref_slice %arg3[%dma_start3A_290, %dma_start3A_291] : memref<1000000x64xf32, #tpu.memory_space<hbm>> -> memref<1000000x64xf32, #tpu.memory_space<hbm>>
      tpu.enqueue_indirect_dma source(%dma_start3A_292 : memref<1000000x64xf32, #tpu.memory_space<hbm>>) target(%arg13 : memref<128x64xf32, #tpu.memory_space<vmem>>) offsets(%dma_start3A_289 : memref<128xi32, #tpu.memory_space<vmem>>) semaphore(%arg21 : memref<!tpu.dma_semaphore, #tpu.memory_space<semaphore_mem>>)
      %mul3A_293 = arith.constant 8 : i32
      %mul3A_294 = arith.muli %add3A_166, %mul3A_293 : i32
      %add3A_295 = arith.constant 6 : i32
      %add3A_296 = arith.addi %mul3A_294, %add3A_295 : i32
      %dma_wait3A_297 = arith.constant 0 : i32
      %dma_wait3A_298 = tpu.memref_slice %arg6[%add3A_296, %dma_wait3A_297] : memref<200x128xi32, #tpu.memory_space<vmem>> -> memref<1x128xi32, #tpu.memory_space<vmem>>
      %dma_wait3A_299 = tpu.memref_squeeze %dma_wait3A_298 : memref<1x128xi32, #tpu.memory_space<vmem>> -> memref<128xi32, #tpu.memory_space<vmem>>
      %dma_wait3A_300 = arith.constant 0 : i32
      %dma_wait3A_301 = arith.constant 0 : i32
      %dma_wait3A_302 = tpu.memref_slice %arg3[%dma_wait3A_300, %dma_wait3A_301] : memref<1000000x64xf32, #tpu.memory_space<hbm>> -> memref<1000000x64xf32, #tpu.memory_space<hbm>>
      tpu.wait_indirect_dma semaphore(%arg22 : memref<!tpu.dma_semaphore, #tpu.memory_space<semaphore_mem>>) src(%dma_wait3A_302 : memref<1000000x64xf32, #tpu.memory_space<hbm>>) dst(%arg14 : memref<128x64xf32, #tpu.memory_space<vmem>>)
      %add3A_303 = arith.addi %mul3A_2, %add3A_296 : i32
      %mul3A_304 = arith.constant 128 : i32
      %mul3A_305 = arith.muli %add3A_303, %mul3A_304 : i32
      "tpu.region"() ({
        %run_scoped3A = tpu.sem_alloc : memref<!tpu.dma_semaphore, #tpu.memory_space<semaphore_mem>>
        %dma_start3A_335 = arith.constant 0 : i32
        %dma_start3A_336 = tpu.memref_slice %arg4[%mul3A_305, %dma_start3A_335] : memref<819200x64xf32, #tpu.memory_space<hbm>> -> memref<128x64xf32, #tpu.memory_space<hbm>>
        %dma_start3A_337 = arith.constant 0 : i32
        %dma_start3A_338 = tpu.memref_slice %arg4[%mul3A_305, %dma_start3A_337] : memref<819200x64xf32, #tpu.memory_space<hbm>> -> memref<128x64xf32, #tpu.memory_space<hbm>>
        tpu.enqueue_dma source(%arg14 : memref<128x64xf32, #tpu.memory_space<vmem>>) target(%dma_start3A_338 : memref<128x64xf32, #tpu.memory_space<hbm>>) target_semaphore(%run_scoped3A : memref<!tpu.dma_semaphore, #tpu.memory_space<semaphore_mem>>)
        %dma_wait3A_339 = arith.constant 0 : i32
        %dma_wait3A_340 = tpu.memref_slice %arg4[%mul3A_305, %dma_wait3A_339] : memref<819200x64xf32, #tpu.memory_space<hbm>> -> memref<128x64xf32, #tpu.memory_space<hbm>>
        %dma_wait3A_341 = arith.constant 0 : i32
        %dma_wait3A_342 = tpu.memref_slice %arg4[%mul3A_305, %dma_wait3A_341] : memref<819200x64xf32, #tpu.memory_space<hbm>> -> memref<128x64xf32, #tpu.memory_space<hbm>>
        tpu.wait_dma2 semaphore(%run_scoped3A : memref<!tpu.dma_semaphore, #tpu.memory_space<semaphore_mem>>) src(%arg14 : memref<128x64xf32, #tpu.memory_space<vmem>>) dst(%dma_wait3A_342 : memref<128x64xf32, #tpu.memory_space<hbm>>)
        tpu.yield
      }) : () -> ()
      %add3A_306 = arith.constant 8 : i32
      %add3A_307 = arith.addi %add3A_296, %add3A_306 : i32
      %dma_start3A_308 = arith.constant 0 : i32
      %dma_start3A_309 = tpu.memref_slice %arg6[%add3A_307, %dma_start3A_308] : memref<200x128xi32, #tpu.memory_space<vmem>> -> memref<1x128xi32, #tpu.memory_space<vmem>>
      %dma_start3A_310 = tpu.memref_squeeze %dma_start3A_309 : memref<1x128xi32, #tpu.memory_space<vmem>> -> memref<128xi32, #tpu.memory_space<vmem>>
      %dma_start3A_311 = arith.constant 0 : i32
      %dma_start3A_312 = arith.constant 0 : i32
      %dma_start3A_313 = tpu.memref_slice %arg3[%dma_start3A_311, %dma_start3A_312] : memref<1000000x64xf32, #tpu.memory_space<hbm>> -> memref<1000000x64xf32, #tpu.memory_space<hbm>>
      tpu.enqueue_indirect_dma source(%dma_start3A_313 : memref<1000000x64xf32, #tpu.memory_space<hbm>>) target(%arg14 : memref<128x64xf32, #tpu.memory_space<vmem>>) offsets(%dma_start3A_310 : memref<128xi32, #tpu.memory_space<vmem>>) semaphore(%arg22 : memref<!tpu.dma_semaphore, #tpu.memory_space<semaphore_mem>>)
      %mul3A_314 = arith.constant 8 : i32
      %mul3A_315 = arith.muli %add3A_166, %mul3A_314 : i32
      %add3A_316 = arith.constant 7 : i32
      %add3A_317 = arith.addi %mul3A_315, %add3A_316 : i32
      %dma_wait3A_318 = arith.constant 0 : i32
      %dma_wait3A_319 = tpu.memref_slice %arg6[%add3A_317, %dma_wait3A_318] : memref<200x128xi32, #tpu.memory_space<vmem>> -> memref<1x128xi32, #tpu.memory_space<vmem>>
      %dma_wait3A_320 = tpu.memref_squeeze %dma_wait3A_319 : memref<1x128xi32, #tpu.memory_space<vmem>> -> memref<128xi32, #tpu.memory_space<vmem>>
      %dma_wait3A_321 = arith.constant 0 : i32
      %dma_wait3A_322 = arith.constant 0 : i32
      %dma_wait3A_323 = tpu.memref_slice %arg3[%dma_wait3A_321, %dma_wait3A_322] : memref<1000000x64xf32, #tpu.memory_space<hbm>> -> memref<1000000x64xf32, #tpu.memory_space<hbm>>
      tpu.wait_indirect_dma semaphore(%arg23 : memref<!tpu.dma_semaphore, #tpu.memory_space<semaphore_mem>>) src(%dma_wait3A_323 : memref<1000000x64xf32, #tpu.memory_space<hbm>>) dst(%arg15 : memref<128x64xf32, #tpu.memory_space<vmem>>)
      %add3A_324 = arith.addi %mul3A_2, %add3A_317 : i32
      %mul3A_325 = arith.constant 128 : i32
      %mul3A_326 = arith.muli %add3A_324, %mul3A_325 : i32
      "tpu.region"() ({
        %run_scoped3A = tpu.sem_alloc : memref<!tpu.dma_semaphore, #tpu.memory_space<semaphore_mem>>
        %dma_start3A_335 = arith.constant 0 : i32
        %dma_start3A_336 = tpu.memref_slice %arg4[%mul3A_326, %dma_start3A_335] : memref<819200x64xf32, #tpu.memory_space<hbm>> -> memref<128x64xf32, #tpu.memory_space<hbm>>
        %dma_start3A_337 = arith.constant 0 : i32
        %dma_start3A_338 = tpu.memref_slice %arg4[%mul3A_326, %dma_start3A_337] : memref<819200x64xf32, #tpu.memory_space<hbm>> -> memref<128x64xf32, #tpu.memory_space<hbm>>
        tpu.enqueue_dma source(%arg15 : memref<128x64xf32, #tpu.memory_space<vmem>>) target(%dma_start3A_338 : memref<128x64xf32, #tpu.memory_space<hbm>>) target_semaphore(%run_scoped3A : memref<!tpu.dma_semaphore, #tpu.memory_space<semaphore_mem>>)
        %dma_wait3A_339 = arith.constant 0 : i32
        %dma_wait3A_340 = tpu.memref_slice %arg4[%mul3A_326, %dma_wait3A_339] : memref<819200x64xf32, #tpu.memory_space<hbm>> -> memref<128x64xf32, #tpu.memory_space<hbm>>
        %dma_wait3A_341 = arith.constant 0 : i32
        %dma_wait3A_342 = tpu.memref_slice %arg4[%mul3A_326, %dma_wait3A_341] : memref<819200x64xf32, #tpu.memory_space<hbm>> -> memref<128x64xf32, #tpu.memory_space<hbm>>
        tpu.wait_dma2 semaphore(%run_scoped3A : memref<!tpu.dma_semaphore, #tpu.memory_space<semaphore_mem>>) src(%arg15 : memref<128x64xf32, #tpu.memory_space<vmem>>) dst(%dma_wait3A_342 : memref<128x64xf32, #tpu.memory_space<hbm>>)
        tpu.yield
      }) : () -> ()
      %add3A_327 = arith.constant 8 : i32
      %add3A_328 = arith.addi %add3A_317, %add3A_327 : i32
      %dma_start3A_329 = arith.constant 0 : i32
      %dma_start3A_330 = tpu.memref_slice %arg6[%add3A_328, %dma_start3A_329] : memref<200x128xi32, #tpu.memory_space<vmem>> -> memref<1x128xi32, #tpu.memory_space<vmem>>
      %dma_start3A_331 = tpu.memref_squeeze %dma_start3A_330 : memref<1x128xi32, #tpu.memory_space<vmem>> -> memref<128xi32, #tpu.memory_space<vmem>>
      %dma_start3A_332 = arith.constant 0 : i32
      %dma_start3A_333 = arith.constant 0 : i32
      %dma_start3A_334 = tpu.memref_slice %arg3[%dma_start3A_332, %dma_start3A_333] : memref<1000000x64xf32, #tpu.memory_space<hbm>> -> memref<1000000x64xf32, #tpu.memory_space<hbm>>
      tpu.enqueue_indirect_dma source(%dma_start3A_334 : memref<1000000x64xf32, #tpu.memory_space<hbm>>) target(%arg15 : memref<128x64xf32, #tpu.memory_space<vmem>>) offsets(%dma_start3A_331 : memref<128xi32, #tpu.memory_space<vmem>>) semaphore(%arg23 : memref<!tpu.dma_semaphore, #tpu.memory_space<semaphore_mem>>)
    }
    %scan3A_70 = arith.constant 24 : i32
    %dma_wait3A = arith.constant 192 : i32
    %dma_wait3A_71 = arith.constant 0 : i32
    %dma_wait3A_72 = tpu.memref_slice %arg6[%dma_wait3A, %dma_wait3A_71] : memref<200x128xi32, #tpu.memory_space<vmem>> -> memref<1x128xi32, #tpu.memory_space<vmem>>
    %dma_wait3A_73 = tpu.memref_squeeze %dma_wait3A_72 : memref<1x128xi32, #tpu.memory_space<vmem>> -> memref<128xi32, #tpu.memory_space<vmem>>
    %dma_wait3A_74 = arith.constant 0 : i32
    %dma_wait3A_75 = arith.constant 0 : i32
    %dma_wait3A_76 = tpu.memref_slice %arg3[%dma_wait3A_74, %dma_wait3A_75] : memref<1000000x64xf32, #tpu.memory_space<hbm>> -> memref<1000000x64xf32, #tpu.memory_space<hbm>>
    tpu.wait_indirect_dma semaphore(%arg16 : memref<!tpu.dma_semaphore, #tpu.memory_space<semaphore_mem>>) src(%dma_wait3A_76 : memref<1000000x64xf32, #tpu.memory_space<hbm>>) dst(%arg8 : memref<128x64xf32, #tpu.memory_space<vmem>>)
    %add3A_77 = arith.constant 192 : i32
    %add3A_78 = arith.addi %mul3A_2, %add3A_77 : i32
    %mul3A_79 = arith.constant 128 : i32
    %mul3A_80 = arith.muli %add3A_78, %mul3A_79 : i32
    "tpu.region"() ({
      %run_scoped3A = tpu.sem_alloc : memref<!tpu.dma_semaphore, #tpu.memory_space<semaphore_mem>>
      %dma_start3A_162 = arith.constant 0 : i32
      %dma_start3A_163 = tpu.memref_slice %arg4[%mul3A_80, %dma_start3A_162] : memref<819200x64xf32, #tpu.memory_space<hbm>> -> memref<128x64xf32, #tpu.memory_space<hbm>>
      %dma_start3A_164 = arith.constant 0 : i32
      %dma_start3A_165 = tpu.memref_slice %arg4[%mul3A_80, %dma_start3A_164] : memref<819200x64xf32, #tpu.memory_space<hbm>> -> memref<128x64xf32, #tpu.memory_space<hbm>>
      tpu.enqueue_dma source(%arg8 : memref<128x64xf32, #tpu.memory_space<vmem>>) target(%dma_start3A_165 : memref<128x64xf32, #tpu.memory_space<hbm>>) target_semaphore(%run_scoped3A : memref<!tpu.dma_semaphore, #tpu.memory_space<semaphore_mem>>)
      %dma_wait3A_166 = arith.constant 0 : i32
      %dma_wait3A_167 = tpu.memref_slice %arg4[%mul3A_80, %dma_wait3A_166] : memref<819200x64xf32, #tpu.memory_space<hbm>> -> memref<128x64xf32, #tpu.memory_space<hbm>>
      %dma_wait3A_168 = arith.constant 0 : i32
      %dma_wait3A_169 = tpu.memref_slice %arg4[%mul3A_80, %dma_wait3A_168] : memref<819200x64xf32, #tpu.memory_space<hbm>> -> memref<128x64xf32, #tpu.memory_space<hbm>>
      tpu.wait_dma2 semaphore(%run_scoped3A : memref<!tpu.dma_semaphore, #tpu.memory_space<semaphore_mem>>) src(%arg8 : memref<128x64xf32, #tpu.memory_space<vmem>>) dst(%dma_wait3A_169 : memref<128x64xf32, #tpu.memory_space<hbm>>)
      tpu.yield
    }) : () -> ()
    %dma_wait3A_81 = arith.constant 193 : i32
    %dma_wait3A_82 = arith.constant 0 : i32
    %dma_wait3A_83 = tpu.memref_slice %arg6[%dma_wait3A_81, %dma_wait3A_82] : memref<200x128xi32, #tpu.memory_space<vmem>> -> memref<1x128xi32, #tpu.memory_space<vmem>>
    %dma_wait3A_84 = tpu.memref_squeeze %dma_wait3A_83 : memref<1x128xi32, #tpu.memory_space<vmem>> -> memref<128xi32, #tpu.memory_space<vmem>>
    %dma_wait3A_85 = arith.constant 0 : i32
    %dma_wait3A_86 = arith.constant 0 : i32
    %dma_wait3A_87 = tpu.memref_slice %arg3[%dma_wait3A_85, %dma_wait3A_86] : memref<1000000x64xf32, #tpu.memory_space<hbm>> -> memref<1000000x64xf32, #tpu.memory_space<hbm>>
    tpu.wait_indirect_dma semaphore(%arg17 : memref<!tpu.dma_semaphore, #tpu.memory_space<semaphore_mem>>) src(%dma_wait3A_87 : memref<1000000x64xf32, #tpu.memory_space<hbm>>) dst(%arg9 : memref<128x64xf32, #tpu.memory_space<vmem>>)
    %add3A_88 = arith.constant 193 : i32
    %add3A_89 = arith.addi %mul3A_2, %add3A_88 : i32
    %mul3A_90 = arith.constant 128 : i32
    %mul3A_91 = arith.muli %add3A_89, %mul3A_90 : i32
    "tpu.region"() ({
      %run_scoped3A = tpu.sem_alloc : memref<!tpu.dma_semaphore, #tpu.memory_space<semaphore_mem>>
      %dma_start3A_162 = arith.constant 0 : i32
      %dma_start3A_163 = tpu.memref_slice %arg4[%mul3A_91, %dma_start3A_162] : memref<819200x64xf32, #tpu.memory_space<hbm>> -> memref<128x64xf32, #tpu.memory_space<hbm>>
      %dma_start3A_164 = arith.constant 0 : i32
      %dma_start3A_165 = tpu.memref_slice %arg4[%mul3A_91, %dma_start3A_164] : memref<819200x64xf32, #tpu.memory_space<hbm>> -> memref<128x64xf32, #tpu.memory_space<hbm>>
      tpu.enqueue_dma source(%arg9 : memref<128x64xf32, #tpu.memory_space<vmem>>) target(%dma_start3A_165 : memref<128x64xf32, #tpu.memory_space<hbm>>) target_semaphore(%run_scoped3A : memref<!tpu.dma_semaphore, #tpu.memory_space<semaphore_mem>>)
      %dma_wait3A_166 = arith.constant 0 : i32
      %dma_wait3A_167 = tpu.memref_slice %arg4[%mul3A_91, %dma_wait3A_166] : memref<819200x64xf32, #tpu.memory_space<hbm>> -> memref<128x64xf32, #tpu.memory_space<hbm>>
      %dma_wait3A_168 = arith.constant 0 : i32
      %dma_wait3A_169 = tpu.memref_slice %arg4[%mul3A_91, %dma_wait3A_168] : memref<819200x64xf32, #tpu.memory_space<hbm>> -> memref<128x64xf32, #tpu.memory_space<hbm>>
      tpu.wait_dma2 semaphore(%run_scoped3A : memref<!tpu.dma_semaphore, #tpu.memory_space<semaphore_mem>>) src(%arg9 : memref<128x64xf32, #tpu.memory_space<vmem>>) dst(%dma_wait3A_169 : memref<128x64xf32, #tpu.memory_space<hbm>>)
      tpu.yield
    }) : () -> ()
    %dma_wait3A_92 = arith.constant 194 : i32
    %dma_wait3A_93 = arith.constant 0 : i32
    %dma_wait3A_94 = tpu.memref_slice %arg6[%dma_wait3A_92, %dma_wait3A_93] : memref<200x128xi32, #tpu.memory_space<vmem>> -> memref<1x128xi32, #tpu.memory_space<vmem>>
    %dma_wait3A_95 = tpu.memref_squeeze %dma_wait3A_94 : memref<1x128xi32, #tpu.memory_space<vmem>> -> memref<128xi32, #tpu.memory_space<vmem>>
    %dma_wait3A_96 = arith.constant 0 : i32
    %dma_wait3A_97 = arith.constant 0 : i32
    %dma_wait3A_98 = tpu.memref_slice %arg3[%dma_wait3A_96, %dma_wait3A_97] : memref<1000000x64xf32, #tpu.memory_space<hbm>> -> memref<1000000x64xf32, #tpu.memory_space<hbm>>
    tpu.wait_indirect_dma semaphore(%arg18 : memref<!tpu.dma_semaphore, #tpu.memory_space<semaphore_mem>>) src(%dma_wait3A_98 : memref<1000000x64xf32, #tpu.memory_space<hbm>>) dst(%arg10 : memref<128x64xf32, #tpu.memory_space<vmem>>)
    %add3A_99 = arith.constant 194 : i32
    %add3A_100 = arith.addi %mul3A_2, %add3A_99 : i32
    %mul3A_101 = arith.constant 128 : i32
    %mul3A_102 = arith.muli %add3A_100, %mul3A_101 : i32
    "tpu.region"() ({
      %run_scoped3A = tpu.sem_alloc : memref<!tpu.dma_semaphore, #tpu.memory_space<semaphore_mem>>
      %dma_start3A_162 = arith.constant 0 : i32
      %dma_start3A_163 = tpu.memref_slice %arg4[%mul3A_102, %dma_start3A_162] : memref<819200x64xf32, #tpu.memory_space<hbm>> -> memref<128x64xf32, #tpu.memory_space<hbm>>
      %dma_start3A_164 = arith.constant 0 : i32
      %dma_start3A_165 = tpu.memref_slice %arg4[%mul3A_102, %dma_start3A_164] : memref<819200x64xf32, #tpu.memory_space<hbm>> -> memref<128x64xf32, #tpu.memory_space<hbm>>
      tpu.enqueue_dma source(%arg10 : memref<128x64xf32, #tpu.memory_space<vmem>>) target(%dma_start3A_165 : memref<128x64xf32, #tpu.memory_space<hbm>>) target_semaphore(%run_scoped3A : memref<!tpu.dma_semaphore, #tpu.memory_space<semaphore_mem>>)
      %dma_wait3A_166 = arith.constant 0 : i32
      %dma_wait3A_167 = tpu.memref_slice %arg4[%mul3A_102, %dma_wait3A_166] : memref<819200x64xf32, #tpu.memory_space<hbm>> -> memref<128x64xf32, #tpu.memory_space<hbm>>
      %dma_wait3A_168 = arith.constant 0 : i32
      %dma_wait3A_169 = tpu.memref_slice %arg4[%mul3A_102, %dma_wait3A_168] : memref<819200x64xf32, #tpu.memory_space<hbm>> -> memref<128x64xf32, #tpu.memory_space<hbm>>
      tpu.wait_dma2 semaphore(%run_scoped3A : memref<!tpu.dma_semaphore, #tpu.memory_space<semaphore_mem>>) src(%arg10 : memref<128x64xf32, #tpu.memory_space<vmem>>) dst(%dma_wait3A_169 : memref<128x64xf32, #tpu.memory_space<hbm>>)
      tpu.yield
    }) : () -> ()
    %dma_wait3A_103 = arith.constant 195 : i32
    %dma_wait3A_104 = arith.constant 0 : i32
    %dma_wait3A_105 = tpu.memref_slice %arg6[%dma_wait3A_103, %dma_wait3A_104] : memref<200x128xi32, #tpu.memory_space<vmem>> -> memref<1x128xi32, #tpu.memory_space<vmem>>
    %dma_wait3A_106 = tpu.memref_squeeze %dma_wait3A_105 : memref<1x128xi32, #tpu.memory_space<vmem>> -> memref<128xi32, #tpu.memory_space<vmem>>
    %dma_wait3A_107 = arith.constant 0 : i32
    %dma_wait3A_108 = arith.constant 0 : i32
    %dma_wait3A_109 = tpu.memref_slice %arg3[%dma_wait3A_107, %dma_wait3A_108] : memref<1000000x64xf32, #tpu.memory_space<hbm>> -> memref<1000000x64xf32, #tpu.memory_space<hbm>>
    tpu.wait_indirect_dma semaphore(%arg19 : memref<!tpu.dma_semaphore, #tpu.memory_space<semaphore_mem>>) src(%dma_wait3A_109 : memref<1000000x64xf32, #tpu.memory_space<hbm>>) dst(%arg11 : memref<128x64xf32, #tpu.memory_space<vmem>>)
    %add3A_110 = arith.constant 195 : i32
    %add3A_111 = arith.addi %mul3A_2, %add3A_110 : i32
    %mul3A_112 = arith.constant 128 : i32
    %mul3A_113 = arith.muli %add3A_111, %mul3A_112 : i32
    "tpu.region"() ({
      %run_scoped3A = tpu.sem_alloc : memref<!tpu.dma_semaphore, #tpu.memory_space<semaphore_mem>>
      %dma_start3A_162 = arith.constant 0 : i32
      %dma_start3A_163 = tpu.memref_slice %arg4[%mul3A_113, %dma_start3A_162] : memref<819200x64xf32, #tpu.memory_space<hbm>> -> memref<128x64xf32, #tpu.memory_space<hbm>>
      %dma_start3A_164 = arith.constant 0 : i32
      %dma_start3A_165 = tpu.memref_slice %arg4[%mul3A_113, %dma_start3A_164] : memref<819200x64xf32, #tpu.memory_space<hbm>> -> memref<128x64xf32, #tpu.memory_space<hbm>>
      tpu.enqueue_dma source(%arg11 : memref<128x64xf32, #tpu.memory_space<vmem>>) target(%dma_start3A_165 : memref<128x64xf32, #tpu.memory_space<hbm>>) target_semaphore(%run_scoped3A : memref<!tpu.dma_semaphore, #tpu.memory_space<semaphore_mem>>)
      %dma_wait3A_166 = arith.constant 0 : i32
      %dma_wait3A_167 = tpu.memref_slice %arg4[%mul3A_113, %dma_wait3A_166] : memref<819200x64xf32, #tpu.memory_space<hbm>> -> memref<128x64xf32, #tpu.memory_space<hbm>>
      %dma_wait3A_168 = arith.constant 0 : i32
      %dma_wait3A_169 = tpu.memref_slice %arg4[%mul3A_113, %dma_wait3A_168] : memref<819200x64xf32, #tpu.memory_space<hbm>> -> memref<128x64xf32, #tpu.memory_space<hbm>>
      tpu.wait_dma2 semaphore(%run_scoped3A : memref<!tpu.dma_semaphore, #tpu.memory_space<semaphore_mem>>) src(%arg11 : memref<128x64xf32, #tpu.memory_space<vmem>>) dst(%dma_wait3A_169 : memref<128x64xf32, #tpu.memory_space<hbm>>)
      tpu.yield
    }) : () -> ()
    %dma_wait3A_114 = arith.constant 196 : i32
    %dma_wait3A_115 = arith.constant 0 : i32
    %dma_wait3A_116 = tpu.memref_slice %arg6[%dma_wait3A_114, %dma_wait3A_115] : memref<200x128xi32, #tpu.memory_space<vmem>> -> memref<1x128xi32, #tpu.memory_space<vmem>>
    %dma_wait3A_117 = tpu.memref_squeeze %dma_wait3A_116 : memref<1x128xi32, #tpu.memory_space<vmem>> -> memref<128xi32, #tpu.memory_space<vmem>>
    %dma_wait3A_118 = arith.constant 0 : i32
    %dma_wait3A_119 = arith.constant 0 : i32
    %dma_wait3A_120 = tpu.memref_slice %arg3[%dma_wait3A_118, %dma_wait3A_119] : memref<1000000x64xf32, #tpu.memory_space<hbm>> -> memref<1000000x64xf32, #tpu.memory_space<hbm>>
    tpu.wait_indirect_dma semaphore(%arg20 : memref<!tpu.dma_semaphore, #tpu.memory_space<semaphore_mem>>) src(%dma_wait3A_120 : memref<1000000x64xf32, #tpu.memory_space<hbm>>) dst(%arg12 : memref<128x64xf32, #tpu.memory_space<vmem>>)
    %add3A_121 = arith.constant 196 : i32
    %add3A_122 = arith.addi %mul3A_2, %add3A_121 : i32
    %mul3A_123 = arith.constant 128 : i32
    %mul3A_124 = arith.muli %add3A_122, %mul3A_123 : i32
    "tpu.region"() ({
      %run_scoped3A = tpu.sem_alloc : memref<!tpu.dma_semaphore, #tpu.memory_space<semaphore_mem>>
      %dma_start3A_162 = arith.constant 0 : i32
      %dma_start3A_163 = tpu.memref_slice %arg4[%mul3A_124, %dma_start3A_162] : memref<819200x64xf32, #tpu.memory_space<hbm>> -> memref<128x64xf32, #tpu.memory_space<hbm>>
      %dma_start3A_164 = arith.constant 0 : i32
      %dma_start3A_165 = tpu.memref_slice %arg4[%mul3A_124, %dma_start3A_164] : memref<819200x64xf32, #tpu.memory_space<hbm>> -> memref<128x64xf32, #tpu.memory_space<hbm>>
      tpu.enqueue_dma source(%arg12 : memref<128x64xf32, #tpu.memory_space<vmem>>) target(%dma_start3A_165 : memref<128x64xf32, #tpu.memory_space<hbm>>) target_semaphore(%run_scoped3A : memref<!tpu.dma_semaphore, #tpu.memory_space<semaphore_mem>>)
      %dma_wait3A_166 = arith.constant 0 : i32
      %dma_wait3A_167 = tpu.memref_slice %arg4[%mul3A_124, %dma_wait3A_166] : memref<819200x64xf32, #tpu.memory_space<hbm>> -> memref<128x64xf32, #tpu.memory_space<hbm>>
      %dma_wait3A_168 = arith.constant 0 : i32
      %dma_wait3A_169 = tpu.memref_slice %arg4[%mul3A_124, %dma_wait3A_168] : memref<819200x64xf32, #tpu.memory_space<hbm>> -> memref<128x64xf32, #tpu.memory_space<hbm>>
      tpu.wait_dma2 semaphore(%run_scoped3A : memref<!tpu.dma_semaphore, #tpu.memory_space<semaphore_mem>>) src(%arg12 : memref<128x64xf32, #tpu.memory_space<vmem>>) dst(%dma_wait3A_169 : memref<128x64xf32, #tpu.memory_space<hbm>>)
      tpu.yield
    }) : () -> ()
    %dma_wait3A_125 = arith.constant 197 : i32
    %dma_wait3A_126 = arith.constant 0 : i32
    %dma_wait3A_127 = tpu.memref_slice %arg6[%dma_wait3A_125, %dma_wait3A_126] : memref<200x128xi32, #tpu.memory_space<vmem>> -> memref<1x128xi32, #tpu.memory_space<vmem>>
    %dma_wait3A_128 = tpu.memref_squeeze %dma_wait3A_127 : memref<1x128xi32, #tpu.memory_space<vmem>> -> memref<128xi32, #tpu.memory_space<vmem>>
    %dma_wait3A_129 = arith.constant 0 : i32
    %dma_wait3A_130 = arith.constant 0 : i32
    %dma_wait3A_131 = tpu.memref_slice %arg3[%dma_wait3A_129, %dma_wait3A_130] : memref<1000000x64xf32, #tpu.memory_space<hbm>> -> memref<1000000x64xf32, #tpu.memory_space<hbm>>
    tpu.wait_indirect_dma semaphore(%arg21 : memref<!tpu.dma_semaphore, #tpu.memory_space<semaphore_mem>>) src(%dma_wait3A_131 : memref<1000000x64xf32, #tpu.memory_space<hbm>>) dst(%arg13 : memref<128x64xf32, #tpu.memory_space<vmem>>)
    %add3A_132 = arith.constant 197 : i32
    %add3A_133 = arith.addi %mul3A_2, %add3A_132 : i32
    %mul3A_134 = arith.constant 128 : i32
    %mul3A_135 = arith.muli %add3A_133, %mul3A_134 : i32
    "tpu.region"() ({
      %run_scoped3A = tpu.sem_alloc : memref<!tpu.dma_semaphore, #tpu.memory_space<semaphore_mem>>
      %dma_start3A_162 = arith.constant 0 : i32
      %dma_start3A_163 = tpu.memref_slice %arg4[%mul3A_135, %dma_start3A_162] : memref<819200x64xf32, #tpu.memory_space<hbm>> -> memref<128x64xf32, #tpu.memory_space<hbm>>
      %dma_start3A_164 = arith.constant 0 : i32
      %dma_start3A_165 = tpu.memref_slice %arg4[%mul3A_135, %dma_start3A_164] : memref<819200x64xf32, #tpu.memory_space<hbm>> -> memref<128x64xf32, #tpu.memory_space<hbm>>
      tpu.enqueue_dma source(%arg13 : memref<128x64xf32, #tpu.memory_space<vmem>>) target(%dma_start3A_165 : memref<128x64xf32, #tpu.memory_space<hbm>>) target_semaphore(%run_scoped3A : memref<!tpu.dma_semaphore, #tpu.memory_space<semaphore_mem>>)
      %dma_wait3A_166 = arith.constant 0 : i32
      %dma_wait3A_167 = tpu.memref_slice %arg4[%mul3A_135, %dma_wait3A_166] : memref<819200x64xf32, #tpu.memory_space<hbm>> -> memref<128x64xf32, #tpu.memory_space<hbm>>
      %dma_wait3A_168 = arith.constant 0 : i32
      %dma_wait3A_169 = tpu.memref_slice %arg4[%mul3A_135, %dma_wait3A_168] : memref<819200x64xf32, #tpu.memory_space<hbm>> -> memref<128x64xf32, #tpu.memory_space<hbm>>
      tpu.wait_dma2 semaphore(%run_scoped3A : memref<!tpu.dma_semaphore, #tpu.memory_space<semaphore_mem>>) src(%arg13 : memref<128x64xf32, #tpu.memory_space<vmem>>) dst(%dma_wait3A_169 : memref<128x64xf32, #tpu.memory_space<hbm>>)
      tpu.yield
    }) : () -> ()
    %dma_wait3A_136 = arith.constant 198 : i32
    %dma_wait3A_137 = arith.constant 0 : i32
    %dma_wait3A_138 = tpu.memref_slice %arg6[%dma_wait3A_136, %dma_wait3A_137] : memref<200x128xi32, #tpu.memory_space<vmem>> -> memref<1x128xi32, #tpu.memory_space<vmem>>
    %dma_wait3A_139 = tpu.memref_squeeze %dma_wait3A_138 : memref<1x128xi32, #tpu.memory_space<vmem>> -> memref<128xi32, #tpu.memory_space<vmem>>
    %dma_wait3A_140 = arith.constant 0 : i32
    %dma_wait3A_141 = arith.constant 0 : i32
    %dma_wait3A_142 = tpu.memref_slice %arg3[%dma_wait3A_140, %dma_wait3A_141] : memref<1000000x64xf32, #tpu.memory_space<hbm>> -> memref<1000000x64xf32, #tpu.memory_space<hbm>>
    tpu.wait_indirect_dma semaphore(%arg22 : memref<!tpu.dma_semaphore, #tpu.memory_space<semaphore_mem>>) src(%dma_wait3A_142 : memref<1000000x64xf32, #tpu.memory_space<hbm>>) dst(%arg14 : memref<128x64xf32, #tpu.memory_space<vmem>>)
    %add3A_143 = arith.constant 198 : i32
    %add3A_144 = arith.addi %mul3A_2, %add3A_143 : i32
    %mul3A_145 = arith.constant 128 : i32
    %mul3A_146 = arith.muli %add3A_144, %mul3A_145 : i32
    "tpu.region"() ({
      %run_scoped3A = tpu.sem_alloc : memref<!tpu.dma_semaphore, #tpu.memory_space<semaphore_mem>>
      %dma_start3A_162 = arith.constant 0 : i32
      %dma_start3A_163 = tpu.memref_slice %arg4[%mul3A_146, %dma_start3A_162] : memref<819200x64xf32, #tpu.memory_space<hbm>> -> memref<128x64xf32, #tpu.memory_space<hbm>>
      %dma_start3A_164 = arith.constant 0 : i32
      %dma_start3A_165 = tpu.memref_slice %arg4[%mul3A_146, %dma_start3A_164] : memref<819200x64xf32, #tpu.memory_space<hbm>> -> memref<128x64xf32, #tpu.memory_space<hbm>>
      tpu.enqueue_dma source(%arg14 : memref<128x64xf32, #tpu.memory_space<vmem>>) target(%dma_start3A_165 : memref<128x64xf32, #tpu.memory_space<hbm>>) target_semaphore(%run_scoped3A : memref<!tpu.dma_semaphore, #tpu.memory_space<semaphore_mem>>)
      %dma_wait3A_166 = arith.constant 0 : i32
      %dma_wait3A_167 = tpu.memref_slice %arg4[%mul3A_146, %dma_wait3A_166] : memref<819200x64xf32, #tpu.memory_space<hbm>> -> memref<128x64xf32, #tpu.memory_space<hbm>>
      %dma_wait3A_168 = arith.constant 0 : i32
      %dma_wait3A_169 = tpu.memref_slice %arg4[%mul3A_146, %dma_wait3A_168] : memref<819200x64xf32, #tpu.memory_space<hbm>> -> memref<128x64xf32, #tpu.memory_space<hbm>>
      tpu.wait_dma2 semaphore(%run_scoped3A : memref<!tpu.dma_semaphore, #tpu.memory_space<semaphore_mem>>) src(%arg14 : memref<128x64xf32, #tpu.memory_space<vmem>>) dst(%dma_wait3A_169 : memref<128x64xf32, #tpu.memory_space<hbm>>)
      tpu.yield
    }) : () -> ()
    %dma_wait3A_147 = arith.constant 199 : i32
    %dma_wait3A_148 = arith.constant 0 : i32
    %dma_wait3A_149 = tpu.memref_slice %arg6[%dma_wait3A_147, %dma_wait3A_148] : memref<200x128xi32, #tpu.memory_space<vmem>> -> memref<1x128xi32, #tpu.memory_space<vmem>>
    %dma_wait3A_150 = tpu.memref_squeeze %dma_wait3A_149 : memref<1x128xi32, #tpu.memory_space<vmem>> -> memref<128xi32, #tpu.memory_space<vmem>>
    %dma_wait3A_151 = arith.constant 0 : i32
    %dma_wait3A_152 = arith.constant 0 : i32
    %dma_wait3A_153 = tpu.memref_slice %arg3[%dma_wait3A_151, %dma_wait3A_152] : memref<1000000x64xf32, #tpu.memory_space<hbm>> -> memref<1000000x64xf32, #tpu.memory_space<hbm>>
    tpu.wait_indirect_dma semaphore(%arg23 : memref<!tpu.dma_semaphore, #tpu.memory_space<semaphore_mem>>) src(%dma_wait3A_153 : memref<1000000x64xf32, #tpu.memory_space<hbm>>) dst(%arg15 : memref<128x64xf32, #tpu.memory_space<vmem>>)
    %add3A_154 = arith.constant 199 : i32
    %add3A_155 = arith.addi %mul3A_2, %add3A_154 : i32
    %mul3A_156 = arith.constant 128 : i32
    %mul3A_157 = arith.muli %add3A_155, %mul3A_156 : i32
    "tpu.region"() ({
      %run_scoped3A = tpu.sem_alloc : memref<!tpu.dma_semaphore, #tpu.memory_space<semaphore_mem>>
      %dma_start3A_162 = arith.constant 0 : i32
      %dma_start3A_163 = tpu.memref_slice %arg4[%mul3A_157, %dma_start3A_162] : memref<819200x64xf32, #tpu.memory_space<hbm>> -> memref<128x64xf32, #tpu.memory_space<hbm>>
      %dma_start3A_164 = arith.constant 0 : i32
      %dma_start3A_165 = tpu.memref_slice %arg4[%mul3A_157, %dma_start3A_164] : memref<819200x64xf32, #tpu.memory_space<hbm>> -> memref<128x64xf32, #tpu.memory_space<hbm>>
      tpu.enqueue_dma source(%arg15 : memref<128x64xf32, #tpu.memory_space<vmem>>) target(%dma_start3A_165 : memref<128x64xf32, #tpu.memory_space<hbm>>) target_semaphore(%run_scoped3A : memref<!tpu.dma_semaphore, #tpu.memory_space<semaphore_mem>>)
      %dma_wait3A_166 = arith.constant 0 : i32
      %dma_wait3A_167 = tpu.memref_slice %arg4[%mul3A_157, %dma_wait3A_166] : memref<819200x64xf32, #tpu.memory_space<hbm>> -> memref<128x64xf32, #tpu.memory_space<hbm>>
      %dma_wait3A_168 = arith.constant 0 : i32
      %dma_wait3A_169 = tpu.memref_slice %arg4[%mul3A_157, %dma_wait3A_168] : memref<819200x64xf32, #tpu.memory_space<hbm>> -> memref<128x64xf32, #tpu.memory_space<hbm>>
      tpu.wait_dma2 semaphore(%run_scoped3A : memref<!tpu.dma_semaphore, #tpu.memory_space<semaphore_mem>>) src(%arg15 : memref<128x64xf32, #tpu.memory_space<vmem>>) dst(%dma_wait3A_169 : memref<128x64xf32, #tpu.memory_space<hbm>>)
      tpu.yield
    }) : () -> ()
    %dma_wait3A_158 = arith.constant 0 : i32
    %dma_wait3A_159 = tpu.memref_slice %arg5[%mul3A_2, %dma_wait3A_158] : memref<6400x128xf32, #tpu.memory_space<hbm>> -> memref<200x128xf32, #tpu.memory_space<hbm>>
    %dma_wait3A_160 = arith.constant 0 : i32
    %dma_wait3A_161 = tpu.memref_slice %arg5[%mul3A_2, %dma_wait3A_160] : memref<6400x128xf32, #tpu.memory_space<hbm>> -> memref<200x128xf32, #tpu.memory_space<hbm>>
    tpu.wait_dma2 semaphore(%arg24 : memref<!tpu.dma_semaphore, #tpu.memory_space<semaphore_mem>>) src(%arg7 : memref<200x128xf32, #tpu.memory_space<vmem>>) dst(%dma_wait3A_161 : memref<200x128xf32, #tpu.memory_space<hbm>>)
    return
  }
}

</mosaic_0001>

<sc_bundles>
// kernel: kernel.3.cloned.1.call-start
scs
__scs_entry_jumppad:
0x0: {  	(pc) =	sbr.rel $0x88, $3  }
0x1: {  	(tag) =	ssettag $0x0;
	lr =	simm.s32 $0x1  }
0x2: {  	[smem:$0x3F9F] =	sst lr;
	_ =	strace $0xD0000000  }
0x3: {  	_ = 	snop  }
0x4: {  	_ = 	snop  }
0x5: {  	_ = 	snop  }
0x6: {  	_ = 	snop  }
0x7: {  	_ = 	snop  }
__scs_overlays_trampoline_lowered:
0x8: {  	[smem:$0x3FAE] =	sst s0  }
0x9: {  	[smem:$0x3FAF] =	sst s1  }
0xa: {  	[smem:$0x3FB0] =	sst s2  }
0xb: {  	[smem:$0x3FB1] =	sst s3  }
0xc: {  	[smem:$0x3FB2] =	sst s4  }
0xd: {  	[smem:$0x3FB3] =	sst s5  }
0xe: {  	[smem:$0x3FB4] =	sst s6  }
0xf: {  	[smem:$0x3FB5] =	sst s7  }
0x10: {  	[smem:$0x3FB6] =	sst s8  }
0x11: {  	[smem:$0x3FB7] =	sst s9;
	s0 =	simm.s32 @!p0 $0x0  }
0x12: {  	s1 =	sld [smem:$0x3F9D];
	s0 =	simm.s32 @p0 $0x1  }
0x13: {  	[smem:$0x3FB8] =	sst s0;
	s0 =	simm.s32 @!p1 $0x0  }
0x14: {  	s2 =	sld [smem:$0x3F9C];
	s0 =	simm.s32 @p1 $0x1  }
0x15: {  	[smem:$0x3FB9] =	sst s0;
	s0 =	simm.s32 @!p2 $0x0  }
0x16: {  	s3 =	sld [smem:$0x3FDB];
	s0 =	simm.s32 @p2 $0x1  }
0x17: {  	s4 =	simm.s32 $0x1BF5;
	[smem:$0x3FBB] =	sst s0  }
0x18: {  	s0 =	sld [smem:$0x3F9E];
	_ =	swait.ge [sflag:s4], $0x0  }
0x19: {  	s7 =	sld [smem:$0x3F9F]  }
0x1a: {  	s8 =	sadd.s32 $0xFFFFE003, lr  }
0x1b: {  	s9 =	sadd.s32 $0xFFFFFEF7, lr;
	s5 =	simm.s32 $0xFFFFFFFF;
	p2 =	slt.u32 s8, $0xFFFFF086  }
0x1c: {  	p1 =	slt.u32 s9, $0xF7A;
	s5 =	simm.s32 @!p2 $0x0  }
0x1d: {  	s5 =	simm.s32 @p1 $0x1;
	p0 =	seq.s32 s7, s2  }
0x1e: {  	s7 =	smul.u32 @!p0 $0xF7A, s2;
	p2 =	seq.s32 @!p0 s5, $0x0  }
0x1f: {  	s9 =	smul.u32 $0xF7A, s1;
	s8 =	simm.s32 @!p0 $0x1BF5;
	p2 =	por !p2, p0  }
0x20: {  	[sflag:s8] =	ssyncset.s32 @!p0 $0xFFFFF086;
	s6 =	sadd.s32 @!p0 s3, s7;
	s7 =	simm.s32 @!p0 $0x108  }
0x21: {  	s3 =	sadd.s32 s3, s9;
	s6 =	sadd.s32 @!p0 $0x88, s6;
	s7 =	simm.s32 @p2 $0x1082  }
0x22: {  	[simem:s7], [sflag:s8] =	dma.local @!p0 [hbm:s6], $0xF7A  }
0x23: {  	s9 =	sor.u32 $0xD0000000, s2;
	s6 =	simm.s32 $0x108;
	_ =	swait.ge @!p0 [sflag:s8], $0x0  }
0x24: {  	s3 =	sadd.s32 $0x88, s3;
	s6 =	simm.s32 @!p1 $0x1082;
	[sflag:s4] =	ssyncset.s32 $0xFFFFF086  }
0x25: {  	[simem:s6], [sflag:s4] =	dma.local [hbm:s3], $0xF7A  }
0x26: {  	[smem:$0x3F9F] =	sst s1;
	(tag) =	ssettag s2;
	_ =	strace s9  }
0x27: {  	s1 =	sld [smem:$0x3FAF]  }
0x28: {  	s2 =	sld [smem:$0x3FB0]  }
0x29: {  	s4 =	sld [smem:$0x3FB2]  }
0x2a: {  	p0 =	seq.s32 s5, $0x0;
	s5 =	sld [smem:$0x3FB3]  }
0x2b: {  	s6 =	sld [smem:$0x3FB4]  }
0x2c: {  	s7 =	sld [smem:$0x3FB5]  }
0x2d: {  	s3 =	simm.s32 $0x108;
	s8 =	sld [smem:$0x3FB6]  }
0x2e: {  	s3 =	simm.s32 @!p0 $0x1082;
	s9 =	sld [smem:$0x3FB7]  }
0x2f: {  	lr =	sadd.s32 s0, s3;
	s0 =	sld [smem:$0x3FAE]  }
0x30: {  	s3 =	sld [smem:$0x3FB1]  }
0x31: {  	[smem:$0x3FBA] =	sst s10  }
0x32: {  	s10 =	sld [smem:$0x3FB8];
	_ =	sdelay $0x3  }
0x33: {  	p0 =	seq.s32 s10, $0x1;
	s10 =	sld [smem:$0x3FBA];
	_ =	sdelay $0x3  }
0x34: {  	[smem:$0x3FBA] =	sst s10  }
0x35: {  	s10 =	sld [smem:$0x3FB9];
	_ =	sdelay $0x3  }
0x36: {  	p1 =	seq.s32 s10, $0x1;
	s10 =	sld [smem:$0x3FBA];
	_ =	sdelay $0x3  }
0x37: {  	[smem:$0x3FBA] =	sst s10  }
0x38: {  	s10 =	sld [smem:$0x3FBB]  }
0x39: {  	_ = 	snop;
	(pc) =	sbr.ind lr, $3  }
0x3a: {  	_ = 	snop  }
0x3b: {  	_ = 	snop  }
0x3c: {  	p2 =	seq.s32 s10, $0x1;
	s10 =	sld [smem:$0x3FBA]  }
0x3d: {  	_ =	shalt  }
0x3e: {  	_ =	shalt  }
0x3f: {  	_ =	shalt  }
0x40: {  	_ =	shalt  }
0x41: {  	_ =	shalt  }
0x42: {  	_ =	shalt  }
0x43: {  	_ =	shalt  }
0x44: {  	_ =	shalt  }
0x45: {  	_ =	shalt  }
0x46: {  	_ =	shalt  }
0x47: {  	_ =	shalt  }
0x48: {  	_ =	shalt  }
0x49: {  	_ =	shalt  }
0x4a: {  	_ =	shalt  }
0x4b: {  	_ =	shalt  }
0x4c: {  	_ =	shalt  }
0x4d: {  	_ =	shalt  }
0x4e: {  	_ =	shalt  }
0x4f: {  	_ =	shalt  }
0x50: {  	_ =	shalt  }
0x51: {  	_ =	shalt  }
0x52: {  	_ =	shalt  }
0x53: {  	_ =	shalt  }
0x54: {  	_ =	shalt  }
0x55: {  	_ =	shalt  }
0x56: {  	_ =	shalt  }
0x57: {  	_ =	shalt  }
0x58: {  	_ =	shalt  }
0x59: {  	_ =	shalt  }
0x5a: {  	_ =	shalt  }
0x5b: {  	_ =	shalt  }
0x5c: {  	_ =	shalt  }
0x5d: {  	_ =	shalt  }
0x5e: {  	_ =	shalt  }
0x5f: {  	_ =	shalt  }
0x60: {  	_ =	shalt  }
0x61: {  	_ =	shalt  }
0x62: {  	_ =	shalt  }
0x63: {  	_ =	shalt  }
0x64: {  	_ =	shalt  }
0x65: {  	_ =	shalt  }
0x66: {  	_ =	shalt  }
0x67: {  	_ =	shalt  }
0x68: {  	_ =	shalt  }
0x69: {  	_ =	shalt  }
0x6a: {  	_ =	shalt  }
0x6b: {  	_ =	shalt  }
0x6c: {  	_ =	shalt  }
0x6d: {  	_ =	shalt  }
0x6e: {  	_ =	shalt  }
0x6f: {  	_ =	shalt  }
0x70: {  	_ =	shalt  }
0x71: {  	_ =	shalt  }
0x72: {  	_ =	shalt  }
0x73: {  	_ =	shalt  }
0x74: {  	_ =	shalt  }
0x75: {  	_ =	shalt  }
0x76: {  	_ =	shalt  }
0x77: {  	_ =	shalt  }
0x78: {  	_ =	shalt  }
0x79: {  	_ =	shalt  }
0x7a: {  	_ =	shalt  }
0x7b: {  	_ =	shalt  }
0x7c: {  	_ =	shalt  }
0x7d: {  	_ =	shalt  }
0x7e: {  	_ =	shalt  }
0x7f: {  	_ =	shalt  }
0x80: {  	_ =	shalt  }
0x81: {  	_ =	shalt  }
0x82: {  	_ =	shalt  }
0x83: {  	_ =	shalt  }
0x84: {  	_ =	shalt  }
0x85: {  	_ =	shalt  }
0x86: {  	_ =	shalt  }
0x87: {  	_ =	shalt  }
.Lfunc_end0:
.L_simem_size_0:
called_computation.1_lowered:
.L_overlay_start_0:
0x88: {  	s2 =	sld [smem:$0x3FD9]  }
0x89: {  	s3 =	sld [smem:$0x3FFE];
	_ =	sdelay $0x1  }
0x8a: {  	s1 =	srdreg.scid  }
0x8b: {  	s0 =	sand.u32 $0x1, s1  }
0x8c: {  	s14 =	sshll.u32 s0, $0xA;
	s2 =	sadd.s32 s3, s2  }
0x8d: {  	s2 =	sadd.s32 s2, s14  }
0x8e: {  	[smem:$0x3FC6] =	sst s2  }
0x8f: {  	_ = 	snop  }
0x90: {  	s2 =	sld [smem:$0x3FD0];
	_ =	sdelay $0x2  }
0x91: {  	s15 =	simm.s32 $0xA;
	s4 =	simm.s32 $0x10  }
0x92: {  	[smem:s4], [sflag:s15] =	dma.local [hbm:s2], $0x1  }
0x93: {  	_ =	swait.eq [sflag:s15], $0x1  }
0x94: {  	[sflag:s15] =	ssyncset.done $0x0  }
0x95: {  	s16 =	sld [smem:$0x10];
	[sflag:s15] =	ssyncadd.s32 $0xFFFFFFFF  }
0x96: {  	s17 =	sld [smem:$0x11];
	(tm) =	ssettm $0x1  }
0x97: {  	s18 =	sld [smem:$0x3FFB];
	_ =	sdelay $0x3  }
0x98: {  	_ =	strace s18  }
0x99: {  	s4 =	sld [smem:$0x3FFC];
	_ =	sdelay $0x3  }
0x9a: {  	_ =	strace s4  }
0x9b: {  	s4 =	sld [smem:$0x3FFD];
	_ =	sdelay $0x3  }
0x9c: {  	_ =	strace s4  }
0x9d: {  	_ =	strace $0x8FFFFFFF  }
0x9e: {  	s19 =	sld [smem:$0x3FDB];
	_ =	sdelay $0x1  }
0x9f: {  	s5 =	simm.s32 $_scs_section_size  }
0xa0: {  	s6 =	simm.s32 $_size__tile_overlayer_lowered;
	s7 =	simm.s32 $_tile_overlayer_lowered  }
0xa1: {  	s22 =	simm.s32 $0x1BFF;
	s21 =	sshll.u32 s7, $0x1;
	s4 =	sadd.s32 s5, s19  }
0xa2: {  	s8 =	simm.s32 $0x0;
	s20 =	sshll.u32 s6, $0x1;
	s6 =	sadd.s32 s21, s4  }
0xa3: {  	[timem:s8], [sflag:s22] =	dma.local [hbm:s6], s20  }
0xa4: {  	_ =	swait.ge [sflag:s22], s20  }
0xa5: {  	s5 =	ssub.s32 $0x0, s20;
	[sflag:s22] =	ssyncset.done $0x0  }
0xa6: {  	[sflag:s22] =	ssyncadd.s32 s5;
	_ =	sdelay $0x1  }
0xa7: {  	s23 =	simm.s32 $0x1B8B  }
0xa8: {  	_ =	swait.ge [sflag:s23], $0x1  }
0xa9: {  	[sflag:s23] =	ssyncset.done $0x0  }
0xaa: {  	s25 =	simm.s32 $0x1B8E;
	s24 =	sld [smem:$0x3FFE];
	[sflag:s23] =	ssyncadd.s32 $0xFFFFFFFF  }
0xab: {  	s26 =	simm.s32 $execute0_lowered;
	[smem:$0x3FD2] =	sst s25  }
0xac: {  	s6 =	sshll.u32 s26, $0x1;
	_ =	strace $0x80000046;
	[dreg:$0x1] =	wrdreg $0xFFFFFFFF  }
0xad: {  	s28 =	simm.s32 $_size_execute0_lowered;
	s4 =	sadd.s32 s4, s6;
	[dreg:$0x0] =	wrdreg $0x0  }
0xae: {  	s6 =	sshll.u32 s28, $0x1;
	[dreg:$0x2] =	wrdreg s4  }
0xaf: {  	[dreg:$0x3] =	wrdreg s6  }
0xb0: {  	[dreg:$0x4] =	wrdreg $0xC0  }
0xb1: {  	_ =	task [dreg:s8], $0x5FFFF  }
0xb2: {  	[dreg:$0x1] =	wrdreg $0xFFFFFFFF  }
0xb3: {  	[dreg:$0x0] =	wrdreg $0x60  }
0xb4: {  	[dreg:$0x2] =	wrdreg s17  }
0xb5: {  	[dreg:$0x3] =	wrdreg s24  }
0xb6: {  	[dreg:$0x4] =	wrdreg s16  }
0xb7: {  	[dreg:$0x5] =	wrdreg $0x9  }
0xb8: {  	_ =	task.clear_ibuf [dreg:s8], $0x6FFFF;
	_ =	strace $0x90000046  }
0xb9: {  	s29 =	simm.s32 $0x9;
	_ =	strace $0x80000048  }
0xba: {  	_ =	swait.ge [sflag:s29], $0x1  }
0xbb: {  	[sflag:s29] =	ssyncadd.s32 $0xFFFFFFFF  }
0xbc: {  	_ =	strace $0x90000048  }
0xbd: {  	_ =	sfence  }
0xbe: {  	s30 =	sld [smem:$0x0];
	_ =	sdelay $0x2  }
0xbf: {  	s31 =	sshll.u32 s1, $0xD;
	s1 =	sshrl.u32 s1, $0x2  }
0xc0: {  	s3 =	sand.u32 $0x4000, s31;
	s1 =	sadd.s32 s1, s30  }
0xc1: {  	s0 =	sor.u32 s3, s0;
	s1 =	sshll.u32 s1, $0x11  }
0xc2: {  	s0 =	sor.u32 s1, s0  }
0xc3: {  	s0 =	sadd.s32 $0x8F2B, s0  }
0xc4: {  	[sflag:s0] =	ssyncadd.remote.s32 $0x1  }
0xc5: {  	_ =	sfence.sel $0xFFFF  }
0xc6: {  	[dreg:$0x0] =	wrdreg $0xFFFFFFFF;
	(pc) =	sbr.abs _section_cstart, $3  }
0xc7: {  	[dreg:$0x1] =	wrdreg $0xFFFFFFFF  }
0xc8: {  	_ =	task.clear_ibuf [dreg:s8], $0x2FFFF;
	_ =	strace $0x9FFFFFFF  }
0xc9: {  	(tm) =	ssettm $0x7FFFFFFF  }
tec
execute0_lowered:
.L_overlay_start_1:
0x0: {  	(tag) =	ssettag $0x1  }
0x1: {  	s0 =	rddreg [dreg:$0x0]  }
0x2: {  	s1 =	rddreg [dreg:$0x1]  }
0x3: {  	s2 =	rddreg [dreg:$0x2]  }
0x4: {  	s4 =	srdreg.scid;
	s12 =	stileid.u32  }
0x5: {  	s3 =	simm.s32 $0x0;
	s29 =	simm.s32 $0x16800;
	s31 =	simm.s32 $0x18800  }
0x6: {  	s5 =	sand.u32 $0x1, s4;
	s10 =	sshll.u32 s12, $0x1;
	s21 =	smul.u32 $0x64000, s12  }
0x7: {  	s28 =	simm.s32 $0x3;
	s6 =	sor.u32 s5, s10;
	s10 =	smul.u32 $0x190, s12  }
0x8: {  	s30 =	simm.s32 $0x4;
	[smem:$0x7FF] =	sst s3;
	s11 =	smul.u32 $0xC8, s5  }
0x9: {  	s4 =	sadd.s32 $0xF43400, s1;
	s8 =	ssub.s32 $0x2, s5;
	s5 =	smul.u32 $0x32000, s5  }
0xa: {  	_ =	strace $0x80000047;
	s7 =	smul.u32 $0xC80, s6;
	s9 =	sshrl.u32 s8, $0x1  }
0xb: {  	s6 =	smul.u32 $0x190000, s6;
	s8 =	ssub.s32 s8, s9;
	s17 =	sadd.s32 s11, s10  }
0xc: {  	s26 =	sadd.s32 s5, s21;
	s21 =	simm.s32 $0x6;
	s5 =	simm.s32 $0x7  }
0xd: {  	s1 =	sadd.s32 s7, s1;
	s0 =	sadd.s32 s0, s7;
	[dreg:$0x7] =	wrdreg s26  }
0xe: {  	s11 =	sshll.u32 s17, $0xA;
	[dreg:$0x8] =	wrdreg s0;
	s13 =	sadd.s32 $0x1000, s1  }
0xf: {  	s6 =	sshrl.u32 s6, $0x3;
	s20 =	sor.u32 $0x1800, s11;
	[dreg:$0x9] =	wrdreg s13  }
0x10: {  	s17 =	simm.s32 $0xA;
	s22 =	sor.u32 $0x1000, s11;
	[dreg:$0x4] =	wrdreg s20  }
0x11: {  	s14 =	sadd.s32 s2, s6;
	s24 =	sor.u32 $0x800, s11;
	[dreg:$0x5] =	wrdreg s22  }
0x12: {  	s26 =	simm.s32 $0x14800;
	s15 =	sadd.s32 $0x30000, s14;
	[dreg:$0x6] =	wrdreg s24  }
0x13: {  	s7 =	simm.s32 $0x9;
	s16 =	sadd.s32 $0x30400, s14;
	[dreg:$0xa] =	wrdreg s15  }
0x14: {  	s1 =	simm.s32 $0x1A800;
	s6 =	sadd.s32 $0x30800, s14;
	[dreg:$0xb] =	wrdreg s16  }
0x15: {  	s0 =	simm.s32 $0x5;
	s18 =	sadd.s32 $0x30C00, s14;
	[dreg:$0xc] =	wrdreg s6  }
0x16: {  	s19 =	sadd.s32 $0x31000, s14;
	s23 =	sadd.s32 $0x31400, s14;
	[dreg:$0xd] =	wrdreg s18  }
0x17: {  	s25 =	sadd.s32 $0x31800, s14;
	s20 =	simm.s32 $0xE800;
	[dreg:$0xe] =	wrdreg s19  }
0x18: {  	s22 =	simm.s32 $0x10800;
	s24 =	simm.s32 $0x12800;
	[dreg:$0xf] =	wrdreg s23  }
0x19: {  	[dreg:$0x10] =	wrdreg s25;
	s15 =	sadd.s32 $0x31C00, s14;
	s16 =	smax.u32 s8, $0x1  }
0x1a: {  	s18 =	simm.s32 $0x80;
	s19 =	simm.s32 $0xC800;
	s23 =	simm.s32 $0x1  }
0x1b: {  	v0 =	vimm.f32 $1.000000000e+00;
	s25 =	simm.s32 $0x2;
	s6 =	simm.s32 $0x8;
	s8 =	simm.s32 $0x0  }
.LBB2_1:
0x1c: {  	s9 =	rddreg [dreg:$0x8]  }
0x1d: {  	[tilespmem:s3], [sflag:$0xA] =	stream.linear.gather [hbm4b:s9+s3], $0x6400, $0x38;
	[tilespmem:$0x1C800] =	vst v63  }
0x1e: {  	_ =	swait.ge [sflag:s17], $0x6400  }
0x1f: {  	[sflag:s17] =	ssyncset.done $0x0  }
0x20: {  	[sflag:s17] =	ssyncadd.s32 $0xFFFF9C00  }
0x21: {  	[tilespmem:s19], [sflag:$0x1] =	stream.indirect.gather [hbm4b:s4+s18], $0x40, s3, s18, $0xb8;
	[tilespmem:$0x1C800] =	vst v63  }
0x22: {  	_ = 	snop  }
0x23: {  	[tilespmem:s20], [sflag:$0x2] =	stream.indirect.gather [hbm4b:s4+s18], $0x40, s18, s18, $0xb8;
	[tilespmem:$0x1C800] =	vst v63  }
0x24: {  	s13 =	simm.s32 $0x100  }
0x25: {  	[tilespmem:s22], [sflag:$0x3] =	stream.indirect.gather [hbm4b:s4+s18], $0x40, s13, s18, $0xb8;
	[tilespmem:$0x1C800] =	vst v63  }
0x26: {  	s14 =	simm.s32 $0x180  }
0x27: {  	[tilespmem:s24], [sflag:$0x4] =	stream.indirect.gather [hbm4b:s4+s18], $0x40, s14, s18, $0xb8;
	[tilespmem:$0x1C800] =	vst v63  }
0x28: {  	s10 =	simm.s32 $0x200  }
0x29: {  	[tilespmem:s26], [sflag:$0x5] =	stream.indirect.gather [hbm4b:s4+s18], $0x40, s10, s18, $0xb8;
	[tilespmem:$0x1C800] =	vst v63  }
0x2a: {  	s12 =	simm.s32 $0x280  }
0x2b: {  	[tilespmem:s29], [sflag:$0x6] =	stream.indirect.gather [hbm4b:s4+s18], $0x40, s12, s18, $0xb8;
	[tilespmem:$0x1C800] =	vst v63  }
0x2c: {  	s13 =	simm.s32 $0x300  }
0x2d: {  	[tilespmem:s31], [sflag:$0x7] =	stream.indirect.gather [hbm4b:s4+s18], $0x40, s13, s18, $0xb8;
	[tilespmem:$0x1C800] =	vst v63  }
0x2e: {  	s14 =	simm.s32 $0x380;
	s10 =	simm.s32 $0x0  }
0x2f: {  	[tilespmem:s1], [sflag:$0x8] =	stream.indirect.gather [hbm4b:s4+s18], $0x40, s14, s18, $0xb8;
	[tilespmem:$0x1C800] =	vst v63  }
0x30: {  	v1 =	vld [tilespmem:s10+$0x70]  }
0x31: {  	v3 =	vld [tilespmem:s10+$0x0]  }
0x32: {  	v6 =	vld [tilespmem:s10+$0x10]  }
0x33: {  	v5 =	vld [tilespmem:s10+$0x20]  }
0x34: {  	v4 =	vld [tilespmem:s10+$0x30]  }
0x35: {  	v2 =	vld [tilespmem:s10+$0x40];
	vm0 =	veq.s32 v1, $0x0  }
0x36: {  	v1 =	vld [tilespmem:s10+$0x50];
	vm1 =	veq.s32 v3, $0x0;
	v7 =	vsel vm0, $0x0, v0  }
0x37: {  	s9 =	simm.s32 $0x80;
	s12 =	simm.s32 $0x400;
	v3 =	vld [tilespmem:s10+$0x60];
	vm0 =	veq.s32 v6, $0x0;
	v6 =	vsel vm1, $0x0, v0;
	[tilespmem:s10+$0x6470] =	vst v7  }
.LBB2_2:
0x38: {  	p0 =	sne.s32 s12, $0x18E00;
	v7 =	vld [tilespmem:s9+$0x70];
	[tilespmem:s10+$0x6400] =	vst v6;
	v6 =	vsel vm0, $0x0, v0;
	vm0 =	veq.s32 v5, $0x0  }
0x39: {  	v8 =	vld [tilespmem:s9+$0x0];
	[tilespmem:s10+$0x6410] =	vst v6;
	v5 =	vsel vm0, $0x0, v0;
	vm0 =	veq.s32 v4, $0x0  }
0x3a: {  	v9 =	vld [tilespmem:s9+$0x10];
	[tilespmem:s10+$0x6420] =	vst v5;
	v4 =	vsel vm0, $0x0, v0;
	vm0 =	veq.s32 v2, $0x0  }
.Ltmp0:
0x3b: {  	v5 =	vld [tilespmem:s9+$0x20];
	[tilespmem:s10+$0x6430] =	vst v4;
	v2 =	vsel vm0, $0x0, v0;
	vm0 =	veq.s32 v1, $0x0;
	(pc) =	sbr.rel @p0 .LBB2_2-.Ltmp0, $4  }
0x3c: {  	v4 =	vld [tilespmem:s9+$0x30];
	[tilespmem:s10+$0x6440] =	vst v2;
	v1 =	vsel vm0, $0x0, v0;
	vm0 =	veq.s32 v3, $0x0  }
0x3d: {  	v2 =	vld [tilespmem:s9+$0x40];
	vm1 =	veq.s32 v7, $0x0;
	[tilespmem:s10+$0x6450] =	vst v1;
	v3 =	vsel vm0, $0x0, v0  }
0x3e: {  	vm0 =	veq.s32 v8, $0x0;
	v1 =	vld [tilespmem:s9+$0x50];
	v7 =	vsel vm1, $0x0, v0;
	[tilespmem:s10+$0x6460] =	vst v3;
	s10 =	smov.u32 s9  }
0x3f: {  	s9 =	sshra.s32 s12, $0x2;
	s12 =	sadd.s32 $0x200, s12;
	v6 =	vsel vm0, $0x0, v0;
	vm0 =	veq.s32 v9, $0x0;
	v3 =	vld [tilespmem:s10+$0x60];
	[tilespmem:s10+$0x6470] =	vst v7  }
0x40: {  	v7 =	vld [tilespmem:s9+$0x70];
	[tilespmem:s10+$0x6400] =	vst v6;
	v61 =	vsel vm0, $0x0, v0;
	vm4 =	veq.s32 v5, $0x0  }
0x41: {  	v8 =	vld [tilespmem:s9+$0x0];
	[tilespmem:s10+$0x6410] =	vst v61;
	v5 =	vsel vm4, $0x0, v0;
	vm5 =	veq.s32 v4, $0x0  }
0x42: {  	v6 =	vld [tilespmem:s9+$0x10];
	[tilespmem:s10+$0x6420] =	vst v5;
	v4 =	vsel vm5, $0x0, v0;
	vm6 =	veq.s32 v2, $0x0  }
0x43: {  	v5 =	vld [tilespmem:s9+$0x20];
	[tilespmem:s10+$0x6430] =	vst v4;
	v2 =	vsel vm6, $0x0, v0;
	vm7 =	veq.s32 v1, $0x0  }
0x44: {  	v4 =	vld [tilespmem:s9+$0x30];
	[tilespmem:s10+$0x6440] =	vst v2;
	v1 =	vsel vm7, $0x0, v0;
	vm8 =	veq.s32 v3, $0x0  }
0x45: {  	v2 =	vld [tilespmem:s9+$0x40];
	[tilespmem:s10+$0x6450] =	vst v1;
	v1 =	vsel vm8, $0x0, v0;
	vm9 =	veq.s32 v7, $0x0  }
0x46: {  	v3 =	vld [tilespmem:s9+$0x50];
	[tilespmem:s10+$0x6460] =	vst v1;
	vm1 =	veq.s32 v8, $0x0;
	v1 =	vsel vm9, $0x0, v0  }
0x47: {  	v62 =	vld [tilespmem:s9+$0x60];
	vm10 =	veq.s32 v6, $0x0;
	v63 =	vsel vm1, $0x0, v0;
	[tilespmem:s9+$0x6470] =	vst v1  }
0x48: {  	[tilespmem:s9+$0x6400] =	vst v63;
	v1 =	vsel vm10, $0x0, v0;
	vm11 =	veq.s32 v5, $0x0  }
0x49: {  	[tilespmem:s9+$0x6410] =	vst v1;
	v1 =	vsel vm11, $0x0, v0;
	vm12 =	veq.s32 v4, $0x0  }
0x4a: {  	[tilespmem:s9+$0x6420] =	vst v1;
	v1 =	vsel vm12, $0x0, v0;
	vm13 =	veq.s32 v2, $0x0  }
0x4b: {  	[tilespmem:s9+$0x6430] =	vst v1;
	v1 =	vsel vm13, $0x0, v0;
	vm14 =	veq.s32 v3, $0x0  }
0x4c: {  	[tilespmem:s9+$0x6440] =	vst v1;
	v1 =	vsel vm14, $0x0, v0;
	vm15 =	veq.s32 v62, $0x0  }
0x4d: {  	[tilespmem:s9+$0x6450] =	vst v1;
	v1 =	vsel vm15, $0x0, v0  }
0x4e: {  	s13 =	rddreg [dreg:$0x9];
	s12 =	simm.s32 $0x6400;
	s10 =	simm.s32 $0x0;
	[tilespmem:s9+$0x6460] =	vst v1  }
0x4f: {  	[hbm4b:s13+s10] =	stream.linear.scatter [tilespmem:s12], [sflag:$0x9], $0x6400, $0x38;
	[tilespmem:$0x1C800] =	vst v63  }
0x50: {  	_ =	swait.ge [sflag:s23], $0x2000  }
0x51: {  	s14 =	rddreg [dreg:$0x7];
	[sflag:s23] =	ssyncset.done $0x0  }
0x52: {  	[sflag:s23] =	ssyncadd.s32 $0xFFFFE000;
	s9 =	sadd.s32 s2, s14  }
0x53: {  	[hbm4b:s9+s3] =	stream.linear.scatter [tilespmem:s19], [sflag:$0xA], $0x2000, $0x38;
	[tilespmem:$0x1C800] =	vst v63  }
0x54: {  	_ =	swait.ge [sflag:s17], $0x2000  }
0x55: {  	[sflag:s17] =	ssyncset.done $0x0  }
0x56: {  	s10 =	simm.s32 $0x400;
	[sflag:s17] =	ssyncadd.s32 $0xFFFFE000  }
0x57: {  	[tilespmem:s19], [sflag:$0x1] =	stream.indirect.gather [hbm4b:s4+s18], $0x40, s10, s18, $0xb8;
	[tilespmem:$0x1C800] =	vst v63  }
0x58: {  	_ =	swait.ge [sflag:s25], $0x2000  }
0x59: {  	s9 =	sadd.s32 s2, s11;
	[sflag:s25] =	ssyncset.done $0x0  }
0x5a: {  	s12 =	sadd.s32 $0x400, s9;
	[sflag:s25] =	ssyncadd.s32 $0xFFFFE000  }
0x5b: {  	[hbm4b:s12+s3] =	stream.linear.scatter [tilespmem:s20], [sflag:$0xA], $0x2000, $0x38;
	[tilespmem:$0x1C800] =	vst v63  }
0x5c: {  	_ =	swait.ge [sflag:s17], $0x2000  }
0x5d: {  	[sflag:s17] =	ssyncset.done $0x0  }
0x5e: {  	s13 =	simm.s32 $0x480;
	[sflag:s17] =	ssyncadd.s32 $0xFFFFE000  }
0x5f: {  	[tilespmem:s20], [sflag:$0x2] =	stream.indirect.gather [hbm4b:s4+s18], $0x40, s13, s18, $0xb8;
	[tilespmem:$0x1C800] =	vst v63  }
0x60: {  	_ =	swait.ge [sflag:s28], $0x2000  }
0x61: {  	s14 =	rddreg [dreg:$0x6];
	[sflag:s28] =	ssyncset.done $0x0  }
0x62: {  	[sflag:s28] =	ssyncadd.s32 $0xFFFFE000;
	s10 =	sadd.s32 s2, s14  }
0x63: {  	[hbm4b:s10+s3] =	stream.linear.scatter [tilespmem:s22], [sflag:$0xA], $0x2000, $0x38;
	[tilespmem:$0x1C800] =	vst v63  }
0x64: {  	_ =	swait.ge [sflag:s17], $0x2000  }
0x65: {  	[sflag:s17] =	ssyncset.done $0x0  }
0x66: {  	s12 =	simm.s32 $0x500;
	[sflag:s17] =	ssyncadd.s32 $0xFFFFE000  }
0x67: {  	[tilespmem:s22], [sflag:$0x3] =	stream.indirect.gather [hbm4b:s4+s18], $0x40, s12, s18, $0xb8;
	[tilespmem:$0x1C800] =	vst v63  }
0x68: {  	_ =	swait.ge [sflag:s30], $0x2000  }
0x69: {  	[sflag:s30] =	ssyncset.done $0x0  }
0x6a: {  	s13 =	sadd.s32 $0xC00, s9;
	[sflag:s30] =	ssyncadd.s32 $0xFFFFE000  }
0x6b: {  	[hbm4b:s13+s3] =	stream.linear.scatter [tilespmem:s24], [sflag:$0xA], $0x2000, $0x38;
	[tilespmem:$0x1C800] =	vst v63  }
0x6c: {  	_ =	swait.ge [sflag:s17], $0x2000  }
0x6d: {  	[sflag:s17] =	ssyncset.done $0x0  }
0x6e: {  	s14 =	simm.s32 $0x580;
	[sflag:s17] =	ssyncadd.s32 $0xFFFFE000  }
0x6f: {  	[tilespmem:s24], [sflag:$0x4] =	stream.indirect.gather [hbm4b:s4+s18], $0x40, s14, s18, $0xb8;
	[tilespmem:$0x1C800] =	vst v63  }
0x70: {  	_ =	swait.ge [sflag:s0], $0x2000  }
0x71: {  	s12 =	rddreg [dreg:$0x5];
	[sflag:s0] =	ssyncset.done $0x0  }
0x72: {  	[sflag:s0] =	ssyncadd.s32 $0xFFFFE000;
	s10 =	sadd.s32 s2, s12  }
0x73: {  	[hbm4b:s10+s3] =	stream.linear.scatter [tilespmem:s26], [sflag:$0xA], $0x2000, $0x38;
	[tilespmem:$0x1C800] =	vst v63  }
0x74: {  	_ =	swait.ge [sflag:s17], $0x2000  }
0x75: {  	[sflag:s17] =	ssyncset.done $0x0  }
0x76: {  	s13 =	simm.s32 $0x600;
	[sflag:s17] =	ssyncadd.s32 $0xFFFFE000  }
0x77: {  	[tilespmem:s26], [sflag:$0x5] =	stream.indirect.gather [hbm4b:s4+s18], $0x40, s13, s18, $0xb8;
	[tilespmem:$0x1C800] =	vst v63  }
0x78: {  	_ =	swait.ge [sflag:s21], $0x2000  }
0x79: {  	[sflag:s21] =	ssyncset.done $0x0  }
0x7a: {  	s14 =	sadd.s32 $0x1400, s9;
	[sflag:s21] =	ssyncadd.s32 $0xFFFFE000  }
0x7b: {  	[hbm4b:s14+s3] =	stream.linear.scatter [tilespmem:s29], [sflag:$0xA], $0x2000, $0x38;
	[tilespmem:$0x1C800] =	vst v63  }
0x7c: {  	_ =	swait.ge [sflag:s17], $0x2000  }
0x7d: {  	[sflag:s17] =	ssyncset.done $0x0  }
0x7e: {  	s12 =	simm.s32 $0x680;
	[sflag:s17] =	ssyncadd.s32 $0xFFFFE000  }
0x7f: {  	[tilespmem:s29], [sflag:$0x6] =	stream.indirect.gather [hbm4b:s4+s18], $0x40, s12, s18, $0xb8;
	[tilespmem:$0x1C800] =	vst v63  }
0x80: {  	_ =	swait.ge [sflag:s5], $0x2000  }
0x81: {  	s13 =	rddreg [dreg:$0x4];
	[sflag:s5] =	ssyncset.done $0x0  }
0x82: {  	[sflag:s5] =	ssyncadd.s32 $0xFFFFE000;
	s10 =	sadd.s32 s2, s13  }
0x83: {  	[hbm4b:s10+s3] =	stream.linear.scatter [tilespmem:s31], [sflag:$0xA], $0x2000, $0x38;
	[tilespmem:$0x1C800] =	vst v63  }
0x84: {  	_ =	swait.ge [sflag:s17], $0x2000  }
0x85: {  	[sflag:s17] =	ssyncset.done $0x0  }
0x86: {  	s14 =	simm.s32 $0x700;
	[sflag:s17] =	ssyncadd.s32 $0xFFFFE000  }
0x87: {  	[tilespmem:s31], [sflag:$0x7] =	stream.indirect.gather [hbm4b:s4+s18], $0x40, s14, s18, $0xb8;
	[tilespmem:$0x1C800] =	vst v63  }
0x88: {  	_ =	swait.ge [sflag:s6], $0x2000  }
0x89: {  	[sflag:s6] =	ssyncset.done $0x0  }
0x8a: {  	s9 =	sadd.s32 $0x1C00, s9;
	[sflag:s6] =	ssyncadd.s32 $0xFFFFE000  }
0x8b: {  	[hbm4b:s9+s3] =	stream.linear.scatter [tilespmem:s1], [sflag:$0xA], $0x2000, $0x38;
	[tilespmem:$0x1C800] =	vst v63  }
0x8c: {  	_ =	swait.ge [sflag:s17], $0x2000  }
0x8d: {  	s12 =	simm.s32 $0x780;
	[sflag:s17] =	ssyncset.done $0x0  }
0x8e: {  	s10 =	sadd.s32 $0x2000, s2;
	s9 =	simm.s32 $0x1000;
	[sflag:s17] =	ssyncadd.s32 $0xFFFFE000  }
.LBB2_4:
0x8f: {  	[tilespmem:s1], [sflag:$0x8] =	stream.indirect.gather [hbm4b:s4+s18], $0x40, s12, s18, $0xb8;
	[tilespmem:$0x1C800] =	vst v63  }
0x90: {  	_ =	swait.ge [sflag:s23], $0x2000  }
0x91: {  	s13 =	rddreg [dreg:$0x7];
	[sflag:s23] =	ssyncset.done $0x0  }
0x92: {  	[sflag:s23] =	ssyncadd.s32 $0xFFFFE000;
	s13 =	sadd.s32 s10, s13  }
0x93: {  	[hbm4b:s13+s3] =	stream.linear.scatter [tilespmem:s19], [sflag:$0xA], $0x2000, $0x38;
	[tilespmem:$0x1C800] =	vst v63  }
0x94: {  	s14 =	smov.u32 s9;
	_ =	swait.ge [sflag:s17], $0x2000  }
0x95: {  	s12 =	sshra.s32 s14, $0x2;
	[sflag:s17] =	ssyncset.done $0x0  }
0x96: {  	s14 =	sadd.s32 $0x400, s12;
	[sflag:s17] =	ssyncadd.s32 $0xFFFFE000  }
0x97: {  	[tilespmem:s19], [sflag:$0x1] =	stream.indirect.gather [hbm4b:s4+s18], $0x40, s14, s18, $0xb8;
	[tilespmem:$0x1C800] =	vst v63  }
0x98: {  	_ =	swait.ge [sflag:s25], $0x2000  }
0x99: {  	s13 =	sadd.s32 s10, s11;
	[sflag:s25] =	ssyncset.done $0x0  }
0x9a: {  	s14 =	sadd.s32 $0x400, s13;
	[sflag:s25] =	ssyncadd.s32 $0xFFFFE000  }
0x9b: {  	[hbm4b:s14+s3] =	stream.linear.scatter [tilespmem:s20], [sflag:$0xA], $0x2000, $0x38;
	[tilespmem:$0x1C800] =	vst v63  }
0x9c: {  	_ =	swait.ge [sflag:s17], $0x2000  }
0x9d: {  	[sflag:s17] =	ssyncset.done $0x0  }
0x9e: {  	s14 =	sadd.s32 $0x480, s12;
	[sflag:s17] =	ssyncadd.s32 $0xFFFFE000  }
0x9f: {  	[tilespmem:s20], [sflag:$0x2] =	stream.indirect.gather [hbm4b:s4+s18], $0x40, s14, s18, $0xb8;
	[tilespmem:$0x1C800] =	vst v63  }
0xa0: {  	_ =	swait.ge [sflag:s28], $0x2000  }
0xa1: {  	s14 =	rddreg [dreg:$0x6];
	[sflag:s28] =	ssyncset.done $0x0  }
0xa2: {  	[sflag:s28] =	ssyncadd.s32 $0xFFFFE000;
	s14 =	sadd.s32 s10, s14  }
0xa3: {  	[hbm4b:s14+s3] =	stream.linear.scatter [tilespmem:s22], [sflag:$0xA], $0x2000, $0x38;
	[tilespmem:$0x1C800] =	vst v63  }
0xa4: {  	_ =	swait.ge [sflag:s17], $0x2000  }
0xa5: {  	[sflag:s17] =	ssyncset.done $0x0  }
0xa6: {  	s14 =	sadd.s32 $0x500, s12;
	[sflag:s17] =	ssyncadd.s32 $0xFFFFE000  }
0xa7: {  	[tilespmem:s22], [sflag:$0x3] =	stream.indirect.gather [hbm4b:s4+s18], $0x40, s14, s18, $0xb8;
	[tilespmem:$0x1C800] =	vst v63  }
0xa8: {  	_ =	swait.ge [sflag:s30], $0x2000  }
0xa9: {  	[sflag:s30] =	ssyncset.done $0x0  }
0xaa: {  	s14 =	sadd.s32 $0xC00, s13;
	[sflag:s30] =	ssyncadd.s32 $0xFFFFE000  }
0xab: {  	[hbm4b:s14+s3] =	stream.linear.scatter [tilespmem:s24], [sflag:$0xA], $0x2000, $0x38;
	[tilespmem:$0x1C800] =	vst v63  }
0xac: {  	_ =	swait.ge [sflag:s17], $0x2000  }
0xad: {  	[sflag:s17] =	ssyncset.done $0x0  }
0xae: {  	s14 =	sadd.s32 $0x580, s12;
	[sflag:s17] =	ssyncadd.s32 $0xFFFFE000  }
0xaf: {  	[tilespmem:s24], [sflag:$0x4] =	stream.indirect.gather [hbm4b:s4+s18], $0x40, s14, s18, $0xb8;
	[tilespmem:$0x1C800] =	vst v63  }
0xb0: {  	_ =	swait.ge [sflag:s0], $0x2000  }
0xb1: {  	s14 =	rddreg [dreg:$0x5];
	[sflag:s0] =	ssyncset.done $0x0  }
0xb2: {  	[sflag:s0] =	ssyncadd.s32 $0xFFFFE000;
	s14 =	sadd.s32 s10, s14  }
0xb3: {  	[hbm4b:s14+s3] =	stream.linear.scatter [tilespmem:s26], [sflag:$0xA], $0x2000, $0x38;
	[tilespmem:$0x1C800] =	vst v63  }
0xb4: {  	_ =	swait.ge [sflag:s17], $0x2000  }
0xb5: {  	[sflag:s17] =	ssyncset.done $0x0  }
0xb6: {  	s14 =	sadd.s32 $0x600, s12;
	[sflag:s17] =	ssyncadd.s32 $0xFFFFE000  }
0xb7: {  	[tilespmem:s26], [sflag:$0x5] =	stream.indirect.gather [hbm4b:s4+s18], $0x40, s14, s18, $0xb8;
	[tilespmem:$0x1C800] =	vst v63  }
0xb8: {  	_ =	swait.ge [sflag:s21], $0x2000  }
0xb9: {  	[sflag:s21] =	ssyncset.done $0x0  }
0xba: {  	s14 =	sadd.s32 $0x1400, s13;
	[sflag:s21] =	ssyncadd.s32 $0xFFFFE000  }
0xbb: {  	[hbm4b:s14+s3] =	stream.linear.scatter [tilespmem:s29], [sflag:$0xA], $0x2000, $0x38;
	[tilespmem:$0x1C800] =	vst v63  }
0xbc: {  	_ =	swait.ge [sflag:s17], $0x2000  }
0xbd: {  	[sflag:s17] =	ssyncset.done $0x0  }
0xbe: {  	s14 =	sadd.s32 $0x680, s12;
	[sflag:s17] =	ssyncadd.s32 $0xFFFFE000  }
0xbf: {  	[tilespmem:s29], [sflag:$0x6] =	stream.indirect.gather [hbm4b:s4+s18], $0x40, s14, s18, $0xb8;
	[tilespmem:$0x1C800] =	vst v63  }
0xc0: {  	_ =	swait.ge [sflag:s5], $0x2000  }
0xc1: {  	s14 =	rddreg [dreg:$0x4];
	[sflag:s5] =	ssyncset.done $0x0  }
0xc2: {  	[sflag:s5] =	ssyncadd.s32 $0xFFFFE000;
	s14 =	sadd.s32 s10, s14  }
0xc3: {  	[hbm4b:s14+s3] =	stream.linear.scatter [tilespmem:s31], [sflag:$0xA], $0x2000, $0x38;
	[tilespmem:$0x1C800] =	vst v63  }
0xc4: {  	_ =	swait.ge [sflag:s17], $0x2000  }
0xc5: {  	[sflag:s17] =	ssyncset.done $0x0  }
0xc6: {  	s14 =	sadd.s32 $0x700, s12;
	[sflag:s17] =	ssyncadd.s32 $0xFFFFE000  }
0xc7: {  	[tilespmem:s31], [sflag:$0x7] =	stream.indirect.gather [hbm4b:s4+s18], $0x40, s14, s18, $0xb8;
	[tilespmem:$0x1C800] =	vst v63  }
0xc8: {  	_ =	swait.ge [sflag:s6], $0x2000  }
0xc9: {  	p0 =	sne.s32 s9, $0x17000;
	[sflag:s6] =	ssyncset.done $0x0  }
.Ltmp1:
0xca: {  	s13 =	sadd.s32 $0x1C00, s13;
	[sflag:s6] =	ssyncadd.s32 $0xFFFFE000;
	(pc) =	sbr.rel @p0 .LBB2_4-.Ltmp1, $4  }
0xcb: {  	[hbm4b:s13+s3] =	stream.linear.scatter [tilespmem:s1], [sflag:$0xA], $0x2000, $0x38;
	[tilespmem:$0x1C800] =	vst v63  }
0xcc: {  	_ =	swait.ge [sflag:s17], $0x2000  }
0xcd: {  	s9 =	sadd.s32 $0x1000, s9;
	[sflag:s17] =	ssyncset.done $0x0  }
0xce: {  	s10 =	sadd.s32 $0x2000, s10;
	s12 =	sadd.s32 $0x780, s12;
	[sflag:s17] =	ssyncadd.s32 $0xFFFFE000  }
0xcf: {  	[tilespmem:s1], [sflag:$0x8] =	stream.indirect.gather [hbm4b:s4+s18], $0x40, s12, s18, $0xb8;
	[tilespmem:$0x1C800] =	vst v63  }
0xd0: {  	_ =	swait.ge [sflag:s23], $0x2000  }
0xd1: {  	[sflag:s23] =	ssyncset.done $0x0  }
0xd2: {  	s9 =	rddreg [dreg:$0xa];
	[sflag:s23] =	ssyncadd.s32 $0xFFFFE000  }
0xd3: {  	[hbm4b:s9+s3] =	stream.linear.scatter [tilespmem:s19], [sflag:$0xA], $0x2000, $0x38;
	[tilespmem:$0x1C800] =	vst v63  }
0xd4: {  	_ =	swait.ge [sflag:s17], $0x2000  }
0xd5: {  	[sflag:s17] =	ssyncset.done $0x0  }
0xd6: {  	[sflag:s17] =	ssyncadd.s32 $0xFFFFE000  }
0xd7: {  	_ =	swait.ge [sflag:s25], $0x2000  }
0xd8: {  	[sflag:s25] =	ssyncset.done $0x0  }
0xd9: {  	s13 =	rddreg [dreg:$0xb];
	[sflag:s25] =	ssyncadd.s32 $0xFFFFE000  }
0xda: {  	[hbm4b:s13+s3] =	stream.linear.scatter [tilespmem:s20], [sflag:$0xA], $0x2000, $0x38;
	[tilespmem:$0x1C800] =	vst v63  }
0xdb: {  	_ =	swait.ge [sflag:s17], $0x2000  }
0xdc: {  	[sflag:s17] =	ssyncset.done $0x0  }
0xdd: {  	[sflag:s17] =	ssyncadd.s32 $0xFFFFE000  }
0xde: {  	_ =	swait.ge [sflag:s28], $0x2000  }
0xdf: {  	[sflag:s28] =	ssyncset.done $0x0  }
0xe0: {  	s14 =	rddreg [dreg:$0xc];
	[sflag:s28] =	ssyncadd.s32 $0xFFFFE000  }
0xe1: {  	[hbm4b:s14+s3] =	stream.linear.scatter [tilespmem:s22], [sflag:$0xA], $0x2000, $0x38;
	[tilespmem:$0x1C800] =	vst v63  }
0xe2: {  	_ =	swait.ge [sflag:s17], $0x2000  }
0xe3: {  	[sflag:s17] =	ssyncset.done $0x0  }
0xe4: {  	[sflag:s17] =	ssyncadd.s32 $0xFFFFE000  }
0xe5: {  	_ =	swait.ge [sflag:s30], $0x2000  }
0xe6: {  	[sflag:s30] =	ssyncset.done $0x0  }
0xe7: {  	s10 =	rddreg [dreg:$0xd];
	[sflag:s30] =	ssyncadd.s32 $0xFFFFE000  }
0xe8: {  	[hbm4b:s10+s3] =	stream.linear.scatter [tilespmem:s24], [sflag:$0xA], $0x2000, $0x38;
	[tilespmem:$0x1C800] =	vst v63  }
0xe9: {  	_ =	swait.ge [sflag:s17], $0x2000  }
0xea: {  	[sflag:s17] =	ssyncset.done $0x0  }
0xeb: {  	[sflag:s17] =	ssyncadd.s32 $0xFFFFE000  }
0xec: {  	_ =	swait.ge [sflag:s0], $0x2000  }
0xed: {  	[sflag:s0] =	ssyncset.done $0x0  }
0xee: {  	s12 =	rddreg [dreg:$0xe];
	[sflag:s0] =	ssyncadd.s32 $0xFFFFE000  }
0xef: {  	[hbm4b:s12+s3] =	stream.linear.scatter [tilespmem:s26], [sflag:$0xA], $0x2000, $0x38;
	[tilespmem:$0x1C800] =	vst v63  }
0xf0: {  	_ =	swait.ge [sflag:s17], $0x2000  }
0xf1: {  	[sflag:s17] =	ssyncset.done $0x0  }
0xf2: {  	[sflag:s17] =	ssyncadd.s32 $0xFFFFE000  }
0xf3: {  	_ =	swait.ge [sflag:s21], $0x2000  }
0xf4: {  	[sflag:s21] =	ssyncset.done $0x0  }
0xf5: {  	s13 =	rddreg [dreg:$0xf];
	[sflag:s21] =	ssyncadd.s32 $0xFFFFE000  }
0xf6: {  	[hbm4b:s13+s3] =	stream.linear.scatter [tilespmem:s29], [sflag:$0xA], $0x2000, $0x38;
	[tilespmem:$0x1C800] =	vst v63  }
0xf7: {  	_ =	swait.ge [sflag:s17], $0x2000  }
0xf8: {  	[sflag:s17] =	ssyncset.done $0x0  }
0xf9: {  	[sflag:s17] =	ssyncadd.s32 $0xFFFFE000  }
0xfa: {  	_ =	swait.ge [sflag:s5], $0x2000  }
0xfb: {  	[sflag:s5] =	ssyncset.done $0x0  }
0xfc: {  	s14 =	rddreg [dreg:$0x10];
	[sflag:s5] =	ssyncadd.s32 $0xFFFFE000  }
0xfd: {  	[hbm4b:s14+s3] =	stream.linear.scatter [tilespmem:s31], [sflag:$0xA], $0x2000, $0x38;
	[tilespmem:$0x1C800] =	vst v63  }
0xfe: {  	_ =	swait.ge [sflag:s17], $0x2000  }
0xff: {  	[sflag:s17] =	ssyncset.done $0x0  }
0x100: {  	[sflag:s17] =	ssyncadd.s32 $0xFFFFE000  }
0x101: {  	_ =	swait.ge [sflag:s6], $0x2000  }
0x102: {  	[sflag:s6] =	ssyncset.done $0x0  }
0x103: {  	s8 =	sadd.s32 $0x1, s8;
	[sflag:s6] =	ssyncadd.s32 $0xFFFFE000  }
0x104: {  	[hbm4b:s15+s3] =	stream.linear.scatter [tilespmem:s1], [sflag:$0xA], $0x2000, $0x38;
	[tilespmem:$0x1C800] =	vst v63  }
0x105: {  	p0 =	sne.s32 s8, s16;
	_ =	swait.ge [sflag:s17], $0x2000  }
.Ltmp2:
0x106: {  	[sflag:s17] =	ssyncset.done $0x0;
	(pc) =	sbr.rel @p0 .LBB2_1-.Ltmp2, $4  }
0x107: {  	[sflag:s17] =	ssyncadd.s32 $0xFFFFE000  }
0x108: {  	_ =	swait.ge [sflag:s7], $0x6400  }
0x109: {  	[sflag:s7] =	ssyncset.done $0x0  }
0x10a: {  	[sflag:s7] =	ssyncadd.s32 $0xFFFF9C00  }
0x10b: {  	_ =	sfence.sel $0x180000  }
0x10c: {  	[bflag:$0x0] =	sbarrier.arrive $0xFFFF  }
0x10d: {  	_ =	strace $0x90000047  }
0x10e: {  	s0 =	stileid.u32;
	[bflag:$0x2] =	sbarrier.arrive $0xFFFF  }
0x10f: {  	p0 =	sne.s32 s0, $0x0;
	s0 =	rddreg [dreg:$0x3]  }
0x110: {  	s0 =	sadd.s32 @!p0 $0x100000, s0  }
0x111: {  	[sflag:s0] =	ssyncadd.tile.s32 @!p0 $0x1;
	_ =	shalt  }
.Lfunc_end2:
_tile_overlayer_lowered:
.L_overlay_start_2:
0x112: {  	(tag) =	ssettag $0x2  }
0x113: {  	s0 =	rddreg [dreg:$0x0];
	s2 =	stileid.u32  }
0x114: {  	s1 =	rddreg [dreg:$0x1];
	p0 =	sne.s32 s2, $0x0  }
0x115: {  	s3 =	rddreg [dreg:$0x2];
	[bflag:$0x3] =	sbarrier.arrive $0xFFFF;
	s2 =	simm.s32 @!p0 $0x1C0A  }
0x116: {  	[timem:s3], [sflag:s2] =	dma.local @!p0 [hbm:s0], s1  }
0x117: {  	s0 =	simm.s32 @!p0 $0xA  }
0x118: {  	_ =	swait.ge @!p0 [sflag:s0], s1  }
0x119: {  	s1 =	ssub.s32 @!p0 $0x0, s1;
	[sflag:s0] =	ssyncset.done @!p0 $0x0  }
0x11a: {  	[sflag:s0] =	ssyncadd.s32 @!p0 s1  }
0x11b: {  	[bflag:$0x3] =	sbarrier.arrive $0xFFFF  }
0x11c: {  	_ =	shalt  }

// kernel: sparse-core-data-format-call.cloned.1.call-start
scs
called_computation_lowered:
.L_overlay_start_0:
0x0: {  	s2 =	sld [smem:$0x3FD9]  }
0x1: {  	s3 =	sld [smem:$0x3FFE];
	_ =	sdelay $0x1  }
0x2: {  	s1 =	srdreg.scid  }
0x3: {  	s0 =	sand.u32 $0x1, s1  }
0x4: {  	s15 =	sshll.u32 s0, $0xA;
	s2 =	sadd.s32 s3, s2  }
0x5: {  	s2 =	sadd.s32 s2, s15  }
0x6: {  	[smem:$0x3FC6] =	sst s2  }
0x7: {  	_ = 	snop  }
0x8: {  	s2 =	sld [smem:$0x3FD0];
	_ =	sdelay $0x2  }
0x9: {  	s16 =	simm.s32 $0xA;
	s4 =	simm.s32 $0x10  }
0xa: {  	[smem:s4], [sflag:s16] =	dma.local [hbm:s2], $0x1  }
0xb: {  	_ =	swait.eq [sflag:s16], $0x1  }
0xc: {  	[sflag:s16] =	ssyncset.done $0x0  }
0xd: {  	[sflag:s16] =	ssyncadd.s32 $0xFFFFFFFF  }
0xe: {  	s17 =	sld [smem:$0x10];
	(tm) =	ssettm $0x1  }
0xf: {  	s18 =	sld [smem:$0x3FFB];
	_ =	sdelay $0x3  }
0x10: {  	_ =	strace s18  }
0x11: {  	s3 =	sld [smem:$0x3FFC];
	_ =	sdelay $0x3  }
0x12: {  	_ =	strace s3  }
0x13: {  	s3 =	sld [smem:$0x3FFD];
	_ =	sdelay $0x3  }
0x14: {  	_ =	strace s3  }
0x15: {  	_ =	strace $0x8FFFFFFF  }
0x16: {  	s19 =	sld [smem:$0x3FDB];
	_ =	sdelay $0x1  }
0x17: {  	s20 =	simm.s32 $_scs_section_size  }
0x18: {  	s5 =	simm.s32 $_size__tile_overlayer_lowered;
	s6 =	simm.s32 $_tile_overlayer_lowered  }
0x19: {  	s23 =	simm.s32 $0x1BFF;
	s22 =	sshll.u32 s6, $0x1;
	s3 =	sadd.s32 s20, s19  }
0x1a: {  	s7 =	simm.s32 $0x0;
	s21 =	sshll.u32 s5, $0x1;
	s5 =	sadd.s32 s22, s3  }
0x1b: {  	[timem:s7], [sflag:s23] =	dma.local [hbm:s5], s21  }
0x1c: {  	_ =	swait.ge [sflag:s23], s21  }
0x1d: {  	s4 =	ssub.s32 $0x0, s21;
	[sflag:s23] =	ssyncset.done $0x0  }
0x1e: {  	[sflag:s23] =	ssyncadd.s32 s4;
	_ =	sdelay $0x1  }
0x1f: {  	s24 =	simm.s32 $0x1B8B  }
0x20: {  	_ =	swait.ge [sflag:s24], $0x1  }
0x21: {  	[sflag:s24] =	ssyncset.done $0x0  }
0x22: {  	s26 =	simm.s32 $0x1B8E;
	s25 =	sld [smem:$0x3FFE];
	[sflag:s24] =	ssyncadd.s32 $0xFFFFFFFF  }
0x23: {  	s27 =	simm.s32 $execute0_lowered;
	[smem:$0x3FD2] =	sst s26  }
0x24: {  	s5 =	sshll.u32 s27, $0x1;
	_ =	strace $0x80000049;
	[dreg:$0x1] =	wrdreg $0xFFFFFFFF  }
0x25: {  	s28 =	simm.s32 $_size_execute0_lowered;
	s3 =	sadd.s32 s3, s5;
	[dreg:$0x0] =	wrdreg $0x0  }
0x26: {  	s5 =	sshll.u32 s28, $0x1;
	[dreg:$0x2] =	wrdreg s3  }
0x27: {  	[dreg:$0x3] =	wrdreg s5  }
0x28: {  	[dreg:$0x4] =	wrdreg $0xC0  }
0x29: {  	_ =	task [dreg:s7], $0x5FFFF  }
0x2a: {  	[dreg:$0x1] =	wrdreg $0xFFFFFFFF  }
0x2b: {  	[dreg:$0x0] =	wrdreg $0x60  }
0x2c: {  	[dreg:$0x2] =	wrdreg s25  }
0x2d: {  	[dreg:$0x3] =	wrdreg s17  }
0x2e: {  	[dreg:$0x4] =	wrdreg $0x9  }
0x2f: {  	_ =	task.clear_ibuf [dreg:s7], $0x5FFFF;
	_ =	strace $0x90000049  }
0x30: {  	s29 =	simm.s32 $0x9;
	_ =	strace $0x8000004B  }
0x31: {  	_ =	swait.ge [sflag:s29], $0x1  }
0x32: {  	[sflag:s29] =	ssyncadd.s32 $0xFFFFFFFF  }
0x33: {  	_ =	strace $0x9000004B  }
0x34: {  	_ =	sfence  }
0x35: {  	s30 =	sld [smem:$0x0];
	_ =	sdelay $0x2  }
0x36: {  	s31 =	sshll.u32 s1, $0xD;
	s1 =	sshrl.u32 s1, $0x2  }
0x37: {  	s3 =	sand.u32 $0x4000, s31;
	s1 =	sadd.s32 s1, s30  }
0x38: {  	s0 =	sor.u32 s3, s0;
	s1 =	sshll.u32 s1, $0x11  }
0x39: {  	s0 =	sor.u32 s1, s0  }
0x3a: {  	s0 =	sadd.s32 $0x8F2B, s0  }
0x3b: {  	[sflag:s0] =	ssyncadd.remote.s32 $0x1  }
0x3c: {  	_ =	sfence.sel $0xFFFF  }
0x3d: {  	[dreg:$0x0] =	wrdreg $0xFFFFFFFF;
	(pc) =	sbr.abs _section_cstart, $3  }
0x3e: {  	[dreg:$0x1] =	wrdreg $0xFFFFFFFF  }
0x3f: {  	_ =	task.clear_ibuf [dreg:s7], $0x2FFFF;
	_ =	strace $0x9FFFFFFF  }
0x40: {  	(tm) =	ssettm $0x7FFFFFFF  }
0x41: {  	_ =	shalt  }
tec
execute0_lowered:
.L_overlay_start_1:
0x0: {  	(tag) =	ssettag $0x1  }
0x1: {  	s0 =	srdreg.scid  }
0x2: {  	s1 =	sshll.u32 s0, $0x4  }
0x3: {  	s0 =	stileid.u32;
	s1 =	sand.u32 $0x10, s1  }
0x4: {  	s1 =	sor.u32 s0, s1  }
0x5: {  	s6 =	rddreg [dreg:$0x0];
	s4 =	simm.s32 $0x1;
	s2 =	sshll.u32 s1, $0x7  }
0x6: {  	s7 =	simm.s32 $0x2;
	s12 =	simm.s32 $0x0;
	s1 =	ssub.s32 $0x1000, s2  }
0x7: {  	s8 =	simm.s32 $0x8000;
	s13 =	simm.s32 $0x0;
	s3 =	sand.u32 $0xF80, s1  }
0x8: {  	s9 =	simm.s32 $0x0;
	s5 =	sshrl.u32 s1, $0xC;
	p0 =	sne.s32 s3, $0x0  }
.Ltmp0:
0x9: {  	s1 =	rddreg [dreg:$0x2];
	s4 =	simm.s32 @!p0 $0x0;
	(pc) =	sbr.rel .LBB1_1-.Ltmp0, $4  }
0xa: {  	s11 =	simm.s32 $0x0;
	s3 =	rddreg [dreg:$0x1];
	s5 =	sadd.s32 s4, s5  }
0xb: {  	_ =	strace $0x8000004A;
	s4 =	simm.s32 $0x1;
	s5 =	smul.u32 $0xC8, s5  }
0xc: {  	s6 =	sadd.s32 $0x1A000, s6;
	s10 =	smov.u32 s2;
	[sflag:s4] =	ssyncpa.u1 $0x0  }
0xd: {  	p0 =	por $0x0, $0x0;
	[sflag:s7] =	ssyncpa.u1 $0x0;
	s7 =	sor.u32 $0x1, s5  }
.LBB1_4:
0xe: {  	s16 =	sshll.u32 s13, $0x3;
	s17 =	sand.u32 $0x78, s13  }
0xf: {  	s30 =	sand.u32 $0x7E00, s13;
	s12 =	sshll.u32 s12, $0xF;
	s16 =	sand.u32 $0xC00, s16  }
0x10: {  	[tilespmem:s15+$0x810 ss:$0x81] =	vst.msk $0xffff, v2;
	s31 =	sand.u32 $0x7, s13;
	s16 =	sor.u32 s17, s16;
	s17 =	sadd.s32 s3, s30  }
0x11: {  	[tilespmem:s15+$0x1020 ss:$0x81] =	vst.msk $0xffff, v0;
	s13 =	sshll.u32 s31, $0x12;
	s12 =	sadd.s32 s12, s17;
	s16 =	sshrl.u32 s16, $0x3  }
0x12: {  	[tilespmem:s15+$0x0 ss:$0x81] =	vst.msk $0xffff, v1;
	s13 =	sor.u32 $0x400, s13;
	s12 =	sadd.s32 s16, s12  }
0x13: {  	[hbm4b:s12+s13] =	stream.strided.scatter [tilespmem:s14], [sflag:$0x2], $0x2000, s8, s13, $0x20;
	[tilespmem:$0x8080] =	vst v63  }
.LBB1_5:
0x14: {  	s14 =	sadd.s32 $0x1, s9  }
0x15: {  	s12 =	sadd.s32 $0x1000, s10;
	s16 =	smov.u32 s10;
	p2 =	sgt.s32 s14, $0xC7  }
0x16: {  	s16 =	smov.u32 @p2 s12  }
0x17: {  	s14 =	simm.s32 @p2 $0x0;
	p2 =	sgt.s32 s16, $0xFFF  }
0x18: {  	s16 =	smov.u32 @p2 s2;
	p2 =	sne.s32 s11, s7  }
.Ltmp1:
0x19: {  	p1 =	slt.u32 s11, $0x2;
	(pc) =	sbr.rel @!p2 .LBB1_6-.Ltmp1, $4  }
0x1a: {  	s15 =	simm.s32 @!p1 $0x2  }
0x1b: {  	s13 =	smov.u32 s10;
	p0 =	por !p0, !p0;
	_ =	swait.ge @!p1 [sflag:s15], $0x2000  }
0x1c: {  	s12 =	smov.u32 s9;
	[sflag:s15] =	ssyncset.done @!p1 $0x0;
	s9 =	smov.u32 s14  }
0x1d: {  	s11 =	sadd.s32 $0x1, s11;
	[sflag:s15] =	ssyncadd.s32 @!p1 $0xFFFFE000;
	s10 =	smov.u32 s16  }
.LBB1_1:
0x1e: {  	p1 =	sge.u32 s11, s5  }
0x1f: {  	s14 =	sand.u32 @!p1 $0x1FFFFFF, s9  }
0x20: {  	s15 =	smulhi.u32 @!p1 $0x147AE15, s14;
	_ =	sdelay $0x1  }
0x21: {  	s15 =	smul.u32 @!p1 $0xC8, s15  }
0x22: {  	s16 =	sxor.u32 @!p1 $0xFFFFFFFF, s11;
	s17 =	smul.u32 @!p1 $0xC80, s10  }
0x23: {  	s31 =	sadd.s32 $0xFFFFFFFF, s11;
	s16 =	sshll.u32 @!p1 s16, $0xD;
	s14 =	ssub.s32 @!p1 s14, s15  }
0x24: {  	s15 =	sand.u32 @!p1 $0x2000, s16;
	s16 =	sadd.s32 @!p1 s6, s17;
	s14 =	sshll.u32 @!p1 s14, $0x4  }
0x25: {  	s17 =	simm.s32 @!p1 $0x6400;
	s14 =	sadd.s32 @!p1 s14, s16;
	s16 =	simm.s32 @!p1 $0x40  }
0x26: {  	[tilespmem:s15], [sflag:$0x1] =	stream.strided.gather @!p1 [hbm4b:s14+s16], $0x2000, s17, s16, $0x38;
	[tilespmem:$0x8080] =	vst v63  }
0x27: {  	p1 =	sge.u32 s31, s5  }
.Ltmp2:
0x28: {  	_ = 	snop;
	(pc) =	sbr.rel @p1 .LBB1_5-.Ltmp2, $1  }
0x29: {  	_ =	sdelay $0x3  }
0x2a: {  	s14 =	simm.s32 $0x1  }
0x2b: {  	_ =	swait.ge [sflag:s4], $0x2000;
	s14 =	simm.s32 @!p0 $0x0  }
0x2c: {  	[sflag:s4] =	ssyncset.done $0x0;
	s15 =	sshll.u32 s14, $0xD  }
0x2d: {  	[sflag:s4] =	ssyncadd.s32 $0xFFFFE000;
	s18 =	sor.u32 $0x20, s15  }
0x2e: {  	s14 =	smul.u32 $0x8100, s14;
	v3 =	vld [tilespmem:s18+$0x10]  }
0x2f: {  	s30 =	sand.u32 $0x1, s11;
	v2 =	vld [tilespmem:s18+$0xFFFFFFF0]  }
0x30: {  	s15 =	smul.u32 $0x8100, s30;
	s14 =	sshrl.u32 s14, $0x2;
	v0 =	vld [tilespmem:s18+$0x0]  }
0x31: {  	v1 =	vld [tilespmem:s18+$0xFFFFFFE0];
	s16 =	sor.u32 $0x4000, s14  }
0x32: {  	s31 =	sshrl.u32 s15, $0x2;
	s15 =	sadd.s32 $0x0, s16  }
0x33: {  	s17 =	simm.s32 $0x4;
	s18 =	sadd.s32 $0x40, s18;
	s14 =	sor.u32 $0x4000, s31;
	[tilespmem:s15+$0x1830 ss:$0x81] =	vst.msk $0xffff, v3  }
.LBB1_3:
0x34: {  	v3 =	vld [tilespmem:s18+$0x10];
	p1 =	sne.s32 s17, $0x1FC;
	[tilespmem:s15+$0x810 ss:$0x81] =	vst.msk $0xffff, v2;
	s19 =	smov.u32 s17;
	s17 =	sadd.s32 $0x4, s17  }
.Ltmp3:
0x35: {  	v2 =	vld [tilespmem:s18+$0xFFFFFFF0];
	[tilespmem:s15+$0x1020 ss:$0x81] =	vst.msk $0xffff, v0;
	(pc) =	sbr.rel @p1 .LBB1_3-.Ltmp3, $4  }
0x36: {  	v0 =	vld [tilespmem:s18+$0x0];
	[tilespmem:s15+$0x0 ss:$0x81] =	vst.msk $0xffff, v1  }
0x37: {  	s15 =	sshra.s32 s19, $0x2;
	v1 =	vld [tilespmem:s18+$0xFFFFFFE0]  }
0x38: {  	s15 =	sadd.s32 s15, s16  }
0x39: {  	s18 =	sadd.s32 $0x40, s18;
	[tilespmem:s15+$0x1830 ss:$0x81] =	vst.msk $0xffff, v3  }
.Ltmp4:
0x3a: {  	_ = 	snop;
	(pc) =	sbr.rel .LBB1_4-.Ltmp4, $1  }
0x3b: {  	_ =	sdelay $0x3  }
.LBB1_6:
0x3c: {  	_ =	sfence.sel $0x180000  }
0x3d: {  	s2 =	simm.s32 $0x1;
	[bflag:$0x0] =	sbarrier.arrive $0xFFFF  }
0x3e: {  	s31 =	simm.s32 $0x2;
	[sflag:s2] =	ssyncpa.u1 $0x1  }
0x3f: {  	[sflag:s31] =	ssyncpa.u1 $0x1  }
0x40: {  	p0 =	sne.s32 s0, $0x0;
	_ =	strace $0x9000004A  }
0x41: {  	s0 =	sadd.s32 @!p0 $0x100000, s1;
	[bflag:$0x2] =	sbarrier.arrive $0xFFFF  }
0x42: {  	[sflag:s0] =	ssyncadd.tile.s32 @!p0 $0x1;
	_ =	shalt  }
.Lfunc_end1:
_tile_overlayer_lowered:
.L_overlay_start_2:
0x43: {  	(tag) =	ssettag $0x2  }
0x44: {  	s0 =	rddreg [dreg:$0x0];
	s2 =	stileid.u32  }
0x45: {  	s1 =	rddreg [dreg:$0x1];
	p0 =	sne.s32 s2, $0x0  }
0x46: {  	s3 =	rddreg [dreg:$0x2];
	[bflag:$0x3] =	sbarrier.arrive $0xFFFF;
	s2 =	simm.s32 @!p0 $0x1C01  }
0x47: {  	[timem:s3], [sflag:s2] =	dma.local @!p0 [hbm:s0], s1  }
0x48: {  	s0 =	simm.s32 @!p0 $0x1  }
0x49: {  	_ =	swait.ge @!p0 [sflag:s0], s1  }
0x4a: {  	s1 =	ssub.s32 @!p0 $0x0, s1;
	[sflag:s0] =	ssyncset.done @!p0 $0x0  }
0x4b: {  	[sflag:s0] =	ssyncadd.s32 @!p0 s1  }
0x4c: {  	[bflag:$0x3] =	sbarrier.arrive $0xFFFF  }
0x4d: {  	_ =	shalt  }

</sc_bundles>
